<compile_context>
chip_gen: v7x
topology: tpu7x:2x2x1
jax: 0.10.2.dev20260603
libtpu: 0.0.44.dev20260713+nightly
codegen_flags: <defaults>
</compile_context>

<pallas_src>
import functools

import jax
import jax.numpy as jnp
from jax import lax
from jax.experimental import pallas as pl
from jax.experimental.pallas import tpu as pltpu
from jax.experimental.pallas import tpu_sc as plsc

_B = 4096
_L = 200
_D = 32
_N = _B * _L
_NC = 2
_NS = 16
_NW = _NC * _NS
_PER_W = _N // _NW
_CHUNK = 400
_GRP = 4
_NBUF = 2 * _GRP
_NGRP = _PER_W // (_CHUNK * _GRP)
_NPAIR = _NGRP // 2


def _build():
  mesh = plsc.VectorSubcoreMesh(core_axis_name="c", subcore_axis_name="s")

  @functools.partial(
      pl.kernel,
      mesh=mesh,
      out_type=jax.ShapeDtypeStruct((_N, _D), jnp.float32),
      scratch_types=[
          pltpu.VMEM((_NBUF, _CHUNK), jnp.int32),
          pltpu.VMEM((_NBUF, _CHUNK, _D), jnp.float32),
          pltpu.SemaphoreType.DMA((2,)),
          pltpu.SemaphoreType.DMA,
          pltpu.SemaphoreType.DMA((2,)),
      ],
      compiler_params=pltpu.CompilerParams(use_tc_tiling_on_sc=False),
  )
  def emb(idx_hbm, table_hbm, out_hbm, idx_v, rows_v, sem_i, sem_g, sem_s):
    wid = lax.axis_index("s") * _NC + lax.axis_index("c")
    base = wid * _PER_W

    @pl.loop(0, _NPAIR)
    def pair(p):
      for q in range(2):
        bs = q * _GRP
        g = p * 2 + q

        for b in range(_GRP):
          off = base + (g * _GRP + b) * _CHUNK
          pltpu.async_copy(
              idx_hbm.at[pl.ds(off, _CHUNK)], idx_v.at[bs + b], sem_i.at[q])

        @pl.when(p > 0)
        def _():
          for b in range(_GRP):
            pltpu.make_async_copy(
                rows_v.at[bs + b], out_hbm.at[pl.ds(base, _CHUNK)],
                sem_s.at[q]).wait()

        for b in range(_GRP):
          off = base + (g * _GRP + b) * _CHUNK
          pltpu.make_async_copy(
              idx_hbm.at[pl.ds(off, _CHUNK)], idx_v.at[bs + b],
              sem_i.at[q]).wait()
        gathers = []
        for b in range(_GRP):
          gathers.append(pltpu.async_copy(
              table_hbm.at[idx_v.at[bs + b]], rows_v.at[bs + b], sem_g))
        for cp in gathers:
          cp.wait()

        for b in range(_GRP):
          off = base + (g * _GRP + b) * _CHUNK
          pltpu.async_copy(
              rows_v.at[bs + b], out_hbm.at[pl.ds(off, _CHUNK)], sem_s.at[q])

    for q in range(2):
      for b in range(_GRP):
        pltpu.make_async_copy(
            rows_v.at[q * _GRP + b], out_hbm.at[pl.ds(base, _CHUNK)],
            sem_s.at[q]).wait()

  return emb


_emb = jax.jit(_build())


def kernel(x, table):
  idx = x.reshape(_N).astype(jnp.int32)
  out = _emb(idx, table)
  return out.reshape(_B, _L, _D)

# --- scband reference (transcript-rebuilt; emitter-appended) ---
"""Pipeline reference for scband-discrete-embedding-88218628260057 (READ-ONLY COPY).

The authoritative reference and input builder live on the scoring server;
editing this copy changes nothing except your own understanding.
"""

import jax, jax.numpy as jnp
import numpy as np

VOCAB = 1000000
DIM = 32
B = 4096
L = 200
POS_EMB_STD = 0.02

def setup_inputs(seed: int = 0) -> dict:
    key = jax.random.key(seed)
    k_idx, k_tab = jax.random.split(key)
    x = jax.random.randint(k_idx, (B, L), 0, VOCAB, dtype=jnp.int64 if jax.config.jax_enable_x64 else jnp.int32)
    # trunc_normal_(std=0.02) approximated by clipped normal (truncation at +/-2 std)
    table = jnp.clip(jax.random.normal(k_tab, (VOCAB, DIM), dtype=jnp.float32), -2.0, 2.0) * POS_EMB_STD
    return {"x": x, "table": table}

def reference(x, table):
    # nn.Embedding forward: gather rows of the table by index
    return jnp.take(table, x, axis=0)

if __name__ == "__main__":
    import jax
    _d = setup_inputs()
    print(jax.jit(kernel)(*tuple(_d.values())))

</pallas_src>

<mosaic_0001>
#map = affine_map<(d0, d1) -> (0)>
#map1 = affine_map<(d0, d1) -> (0, 0)>
module attributes {stable_mosaic.version = 14 : i64} {
  func.func @emb(%arg0: i32, %arg1: i32, %arg2: memref<819200xi32, #tpu.memory_space<hbm>>, %arg3: memref<1000000x32xf32, #tpu.memory_space<hbm>>, %arg4: memref<819200x32xf32, #tpu.memory_space<hbm>>, %arg5: memref<8x400xi32, #tpu.memory_space<vmem>>, %arg6: memref<8x400x32xf32, #tpu.memory_space<vmem>>, %arg7: memref<2x!tpu.dma_semaphore, #tpu.memory_space<semaphore_mem>>, %arg8: memref<!tpu.dma_semaphore, #tpu.memory_space<semaphore_mem>>, %arg9: memref<2x!tpu.dma_semaphore, #tpu.memory_space<semaphore_mem>>) attributes {dimension_semantics = [#tpu.dimension_semantics<core_parallel>, #tpu.dimension_semantics<subcore_parallel>], iteration_bounds = array<i64: 2, 16>, scalar_prefetch = 0 : i64, scratch_operands = 5 : i64, tpu.core_type = #tpu.core_type<sc_vector_subcore>, window_params = [{transform_indices = #map}, {transform_indices = #map1}, {transform_indices = #map1}]} {
    %mul3A = arith.constant 2 : i32
    %mul3A_0 = arith.muli %arg1, %mul3A : i32
    %add3A = arith.addi %mul3A_0, %arg0 : i32
    %mul3A_1 = arith.constant 25600 : i32
    %mul3A_2 = arith.muli %add3A, %mul3A_1 : i32
    %scan3A = arith.constant 0 : i32
    %scan3A_3 = arith.constant 8 : i32
    %scan3A_4 = arith.addi %scan3A, %scan3A_3 : i32
    %scan3A_5 = arith.constant 1 : i32
    scf.for %scan3A_134 = %scan3A to %scan3A_4 step %scan3A_5  : i32 {
      %mul3A_135 = arith.constant 1 : i32
      %mul3A_136 = arith.muli %scan3A_134, %mul3A_135 : i32
      %add3A_137 = arith.constant 0 : i32
      %add3A_138 = arith.addi %add3A_137, %mul3A_136 : i32
      %mul3A_139 = arith.constant 2 : i32
      %mul3A_140 = arith.muli %add3A_138, %mul3A_139 : i32
      %add3A_141 = arith.constant 0 : i32
      %add3A_142 = arith.addi %mul3A_140, %add3A_141 : i32
      %mul3A_143 = arith.constant 4 : i32
      %mul3A_144 = arith.muli %add3A_142, %mul3A_143 : i32
      %add3A_145 = arith.constant 0 : i32
      %add3A_146 = arith.addi %mul3A_144, %add3A_145 : i32
      %mul3A_147 = arith.constant 400 : i32
      %mul3A_148 = arith.muli %add3A_146, %mul3A_147 : i32
      %add3A_149 = arith.addi %mul3A_2, %mul3A_148 : i32
      %dma_start3A = arith.constant 0 : i32
      %dma_start3A_150 = arith.constant 0 : i32
      %dma_start3A_151 = arith.constant 0 : i32
      %dma_start3A_152 = tpu.memref_slice %arg5[%dma_start3A, %dma_start3A_151] : memref<8x400xi32, #tpu.memory_space<vmem>> -> memref<1x400xi32, #tpu.memory_space<vmem>>
      %dma_start3A_153 = tpu.memref_squeeze %dma_start3A_152 : memref<1x400xi32, #tpu.memory_space<vmem>> -> memref<400xi32, #tpu.memory_space<vmem>>
      %dma_start3A_154 = tpu.memref_slice %arg2[%add3A_149] : memref<819200xi32, #tpu.memory_space<hbm>> -> memref<400xi32, #tpu.memory_space<hbm>>
      %dma_start3A_155 = tpu.memref_slice %arg7[%dma_start3A_150] : memref<2x!tpu.dma_semaphore, #tpu.memory_space<semaphore_mem>> -> memref<1x!tpu.dma_semaphore, #tpu.memory_space<semaphore_mem>>
      %dma_start3A_156 = tpu.memref_squeeze %dma_start3A_155 : memref<1x!tpu.dma_semaphore, #tpu.memory_space<semaphore_mem>> -> memref<!tpu.dma_semaphore, #tpu.memory_space<semaphore_mem>>
      %dma_start3A_157 = arith.constant 0 : i32
      %dma_start3A_158 = tpu.memref_slice %arg5[%dma_start3A, %dma_start3A_157] : memref<8x400xi32, #tpu.memory_space<vmem>> -> memref<1x400xi32, #tpu.memory_space<vmem>>
      %dma_start3A_159 = tpu.memref_squeeze %dma_start3A_158 : memref<1x400xi32, #tpu.memory_space<vmem>> -> memref<400xi32, #tpu.memory_space<vmem>>
      %dma_start3A_160 = tpu.memref_slice %arg2[%add3A_149] : memref<819200xi32, #tpu.memory_space<hbm>> -> memref<400xi32, #tpu.memory_space<hbm>>
      tpu.enqueue_dma source(%dma_start3A_160 : memref<400xi32, #tpu.memory_space<hbm>>) target(%dma_start3A_159 : memref<400xi32, #tpu.memory_space<vmem>>) target_semaphore(%dma_start3A_156 : memref<!tpu.dma_semaphore, #tpu.memory_space<semaphore_mem>>)
      %mul3A_161 = arith.constant 4 : i32
      %mul3A_162 = arith.muli %add3A_142, %mul3A_161 : i32
      %add3A_163 = arith.constant 1 : i32
      %add3A_164 = arith.addi %mul3A_162, %add3A_163 : i32
      %mul3A_165 = arith.constant 400 : i32
      %mul3A_166 = arith.muli %add3A_164, %mul3A_165 : i32
      %add3A_167 = arith.addi %mul3A_2, %mul3A_166 : i32
      %dma_start3A_168 = arith.constant 1 : i32
      %dma_start3A_169 = arith.constant 0 : i32
      %dma_start3A_170 = arith.constant 0 : i32
      %dma_start3A_171 = tpu.memref_slice %arg5[%dma_start3A_168, %dma_start3A_170] : memref<8x400xi32, #tpu.memory_space<vmem>> -> memref<1x400xi32, #tpu.memory_space<vmem>>
      %dma_start3A_172 = tpu.memref_squeeze %dma_start3A_171 : memref<1x400xi32, #tpu.memory_space<vmem>> -> memref<400xi32, #tpu.memory_space<vmem>>
      %dma_start3A_173 = tpu.memref_slice %arg2[%add3A_167] : memref<819200xi32, #tpu.memory_space<hbm>> -> memref<400xi32, #tpu.memory_space<hbm>>
      %dma_start3A_174 = tpu.memref_slice %arg7[%dma_start3A_169] : memref<2x!tpu.dma_semaphore, #tpu.memory_space<semaphore_mem>> -> memref<1x!tpu.dma_semaphore, #tpu.memory_space<semaphore_mem>>
      %dma_start3A_175 = tpu.memref_squeeze %dma_start3A_174 : memref<1x!tpu.dma_semaphore, #tpu.memory_space<semaphore_mem>> -> memref<!tpu.dma_semaphore, #tpu.memory_space<semaphore_mem>>
      %dma_start3A_176 = arith.constant 0 : i32
      %dma_start3A_177 = tpu.memref_slice %arg5[%dma_start3A_168, %dma_start3A_176] : memref<8x400xi32, #tpu.memory_space<vmem>> -> memref<1x400xi32, #tpu.memory_space<vmem>>
      %dma_start3A_178 = tpu.memref_squeeze %dma_start3A_177 : memref<1x400xi32, #tpu.memory_space<vmem>> -> memref<400xi32, #tpu.memory_space<vmem>>
      %dma_start3A_179 = tpu.memref_slice %arg2[%add3A_167] : memref<819200xi32, #tpu.memory_space<hbm>> -> memref<400xi32, #tpu.memory_space<hbm>>
      tpu.enqueue_dma source(%dma_start3A_179 : memref<400xi32, #tpu.memory_space<hbm>>) target(%dma_start3A_178 : memref<400xi32, #tpu.memory_space<vmem>>) target_semaphore(%dma_start3A_175 : memref<!tpu.dma_semaphore, #tpu.memory_space<semaphore_mem>>)
      %mul3A_180 = arith.constant 4 : i32
      %mul3A_181 = arith.muli %add3A_142, %mul3A_180 : i32
      %add3A_182 = arith.constant 2 : i32
      %add3A_183 = arith.addi %mul3A_181, %add3A_182 : i32
      %mul3A_184 = arith.constant 400 : i32
      %mul3A_185 = arith.muli %add3A_183, %mul3A_184 : i32
      %add3A_186 = arith.addi %mul3A_2, %mul3A_185 : i32
      %dma_start3A_187 = arith.constant 2 : i32
      %dma_start3A_188 = arith.constant 0 : i32
      %dma_start3A_189 = arith.constant 0 : i32
      %dma_start3A_190 = tpu.memref_slice %arg5[%dma_start3A_187, %dma_start3A_189] : memref<8x400xi32, #tpu.memory_space<vmem>> -> memref<1x400xi32, #tpu.memory_space<vmem>>
      %dma_start3A_191 = tpu.memref_squeeze %dma_start3A_190 : memref<1x400xi32, #tpu.memory_space<vmem>> -> memref<400xi32, #tpu.memory_space<vmem>>
      %dma_start3A_192 = tpu.memref_slice %arg2[%add3A_186] : memref<819200xi32, #tpu.memory_space<hbm>> -> memref<400xi32, #tpu.memory_space<hbm>>
      %dma_start3A_193 = tpu.memref_slice %arg7[%dma_start3A_188] : memref<2x!tpu.dma_semaphore, #tpu.memory_space<semaphore_mem>> -> memref<1x!tpu.dma_semaphore, #tpu.memory_space<semaphore_mem>>
      %dma_start3A_194 = tpu.memref_squeeze %dma_start3A_193 : memref<1x!tpu.dma_semaphore, #tpu.memory_space<semaphore_mem>> -> memref<!tpu.dma_semaphore, #tpu.memory_space<semaphore_mem>>
      %dma_start3A_195 = arith.constant 0 : i32
      %dma_start3A_196 = tpu.memref_slice %arg5[%dma_start3A_187, %dma_start3A_195] : memref<8x400xi32, #tpu.memory_space<vmem>> -> memref<1x400xi32, #tpu.memory_space<vmem>>
      %dma_start3A_197 = tpu.memref_squeeze %dma_start3A_196 : memref<1x400xi32, #tpu.memory_space<vmem>> -> memref<400xi32, #tpu.memory_space<vmem>>
      %dma_start3A_198 = tpu.memref_slice %arg2[%add3A_186] : memref<819200xi32, #tpu.memory_space<hbm>> -> memref<400xi32, #tpu.memory_space<hbm>>
      tpu.enqueue_dma source(%dma_start3A_198 : memref<400xi32, #tpu.memory_space<hbm>>) target(%dma_start3A_197 : memref<400xi32, #tpu.memory_space<vmem>>) target_semaphore(%dma_start3A_194 : memref<!tpu.dma_semaphore, #tpu.memory_space<semaphore_mem>>)
      %mul3A_199 = arith.constant 4 : i32
      %mul3A_200 = arith.muli %add3A_142, %mul3A_199 : i32
      %add3A_201 = arith.constant 3 : i32
      %add3A_202 = arith.addi %mul3A_200, %add3A_201 : i32
      %mul3A_203 = arith.constant 400 : i32
      %mul3A_204 = arith.muli %add3A_202, %mul3A_203 : i32
      %add3A_205 = arith.addi %mul3A_2, %mul3A_204 : i32
      %dma_start3A_206 = arith.constant 3 : i32
      %dma_start3A_207 = arith.constant 0 : i32
      %dma_start3A_208 = arith.constant 0 : i32
      %dma_start3A_209 = tpu.memref_slice %arg5[%dma_start3A_206, %dma_start3A_208] : memref<8x400xi32, #tpu.memory_space<vmem>> -> memref<1x400xi32, #tpu.memory_space<vmem>>
      %dma_start3A_210 = tpu.memref_squeeze %dma_start3A_209 : memref<1x400xi32, #tpu.memory_space<vmem>> -> memref<400xi32, #tpu.memory_space<vmem>>
      %dma_start3A_211 = tpu.memref_slice %arg2[%add3A_205] : memref<819200xi32, #tpu.memory_space<hbm>> -> memref<400xi32, #tpu.memory_space<hbm>>
      %dma_start3A_212 = tpu.memref_slice %arg7[%dma_start3A_207] : memref<2x!tpu.dma_semaphore, #tpu.memory_space<semaphore_mem>> -> memref<1x!tpu.dma_semaphore, #tpu.memory_space<semaphore_mem>>
      %dma_start3A_213 = tpu.memref_squeeze %dma_start3A_212 : memref<1x!tpu.dma_semaphore, #tpu.memory_space<semaphore_mem>> -> memref<!tpu.dma_semaphore, #tpu.memory_space<semaphore_mem>>
      %dma_start3A_214 = arith.constant 0 : i32
      %dma_start3A_215 = tpu.memref_slice %arg5[%dma_start3A_206, %dma_start3A_214] : memref<8x400xi32, #tpu.memory_space<vmem>> -> memref<1x400xi32, #tpu.memory_space<vmem>>
      %dma_start3A_216 = tpu.memref_squeeze %dma_start3A_215 : memref<1x400xi32, #tpu.memory_space<vmem>> -> memref<400xi32, #tpu.memory_space<vmem>>
      %dma_start3A_217 = tpu.memref_slice %arg2[%add3A_205] : memref<819200xi32, #tpu.memory_space<hbm>> -> memref<400xi32, #tpu.memory_space<hbm>>
      tpu.enqueue_dma source(%dma_start3A_217 : memref<400xi32, #tpu.memory_space<hbm>>) target(%dma_start3A_216 : memref<400xi32, #tpu.memory_space<vmem>>) target_semaphore(%dma_start3A_213 : memref<!tpu.dma_semaphore, #tpu.memory_space<semaphore_mem>>)
      %gt3A = arith.constant 0 : i32
      %gt3A_218 = arith.cmpi sgt, %add3A_138, %gt3A : i32
      %convert_element_type3A = arith.extui %gt3A_218 : i1 to i32
      %cond3A = arith.constant 0 : i32
      %cond3A_219 = arith.cmpi ne, %convert_element_type3A, %cond3A : i32
      scf.if %cond3A_219 {
        %dma_wait3A_833 = arith.constant 0 : i32
        %dma_wait3A_834 = arith.constant 0 : i32
        %dma_wait3A_835 = arith.constant 0 : i32
        %dma_wait3A_836 = arith.constant 0 : i32
        %dma_wait3A_837 = tpu.memref_slice %arg6[%dma_wait3A_833, %dma_wait3A_835, %dma_wait3A_836] : memref<8x400x32xf32, #tpu.memory_space<vmem>> -> memref<1x400x32xf32, #tpu.memory_space<vmem>>
        %dma_wait3A_838 = tpu.memref_squeeze %dma_wait3A_837 : memref<1x400x32xf32, #tpu.memory_space<vmem>> -> memref<400x32xf32, #tpu.memory_space<vmem>>
        %dma_wait3A_839 = arith.constant 0 : i32
        %dma_wait3A_840 = tpu.memref_slice %arg4[%mul3A_2, %dma_wait3A_839] : memref<819200x32xf32, #tpu.memory_space<hbm>> -> memref<400x32xf32, #tpu.memory_space<hbm>>
        %dma_wait3A_841 = tpu.memref_slice %arg9[%dma_wait3A_834] : memref<2x!tpu.dma_semaphore, #tpu.memory_space<semaphore_mem>> -> memref<1x!tpu.dma_semaphore, #tpu.memory_space<semaphore_mem>>
        %dma_wait3A_842 = tpu.memref_squeeze %dma_wait3A_841 : memref<1x!tpu.dma_semaphore, #tpu.memory_space<semaphore_mem>> -> memref<!tpu.dma_semaphore, #tpu.memory_space<semaphore_mem>>
        %dma_wait3A_843 = arith.constant 0 : i32
        %dma_wait3A_844 = tpu.memref_slice %arg4[%mul3A_2, %dma_wait3A_843] : memref<819200x32xf32, #tpu.memory_space<hbm>> -> memref<400x32xf32, #tpu.memory_space<hbm>>
        %dma_wait3A_845 = arith.constant 0 : i32
        %dma_wait3A_846 = arith.constant 0 : i32
        %dma_wait3A_847 = tpu.memref_slice %arg6[%dma_wait3A_833, %dma_wait3A_845, %dma_wait3A_846] : memref<8x400x32xf32, #tpu.memory_space<vmem>> -> memref<1x400x32xf32, #tpu.memory_space<vmem>>
        %dma_wait3A_848 = tpu.memref_squeeze %dma_wait3A_847 : memref<1x400x32xf32, #tpu.memory_space<vmem>> -> memref<400x32xf32, #tpu.memory_space<vmem>>
        tpu.wait_dma2 semaphore(%dma_wait3A_842 : memref<!tpu.dma_semaphore, #tpu.memory_space<semaphore_mem>>) src(%dma_wait3A_848 : memref<400x32xf32, #tpu.memory_space<vmem>>) dst(%dma_wait3A_844 : memref<400x32xf32, #tpu.memory_space<hbm>>)
        %dma_wait3A_849 = arith.constant 1 : i32
        %dma_wait3A_850 = arith.constant 0 : i32
        %dma_wait3A_851 = arith.constant 0 : i32
        %dma_wait3A_852 = arith.constant 0 : i32
        %dma_wait3A_853 = tpu.memref_slice %arg6[%dma_wait3A_849, %dma_wait3A_851, %dma_wait3A_852] : memref<8x400x32xf32, #tpu.memory_space<vmem>> -> memref<1x400x32xf32, #tpu.memory_space<vmem>>
        %dma_wait3A_854 = tpu.memref_squeeze %dma_wait3A_853 : memref<1x400x32xf32, #tpu.memory_space<vmem>> -> memref<400x32xf32, #tpu.memory_space<vmem>>
        %dma_wait3A_855 = arith.constant 0 : i32
        %dma_wait3A_856 = tpu.memref_slice %arg4[%mul3A_2, %dma_wait3A_855] : memref<819200x32xf32, #tpu.memory_space<hbm>> -> memref<400x32xf32, #tpu.memory_space<hbm>>
        %dma_wait3A_857 = tpu.memref_slice %arg9[%dma_wait3A_850] : memref<2x!tpu.dma_semaphore, #tpu.memory_space<semaphore_mem>> -> memref<1x!tpu.dma_semaphore, #tpu.memory_space<semaphore_mem>>
        %dma_wait3A_858 = tpu.memref_squeeze %dma_wait3A_857 : memref<1x!tpu.dma_semaphore, #tpu.memory_space<semaphore_mem>> -> memref<!tpu.dma_semaphore, #tpu.memory_space<semaphore_mem>>
        %dma_wait3A_859 = arith.constant 0 : i32
        %dma_wait3A_860 = tpu.memref_slice %arg4[%mul3A_2, %dma_wait3A_859] : memref<819200x32xf32, #tpu.memory_space<hbm>> -> memref<400x32xf32, #tpu.memory_space<hbm>>
        %dma_wait3A_861 = arith.constant 0 : i32
        %dma_wait3A_862 = arith.constant 0 : i32
        %dma_wait3A_863 = tpu.memref_slice %arg6[%dma_wait3A_849, %dma_wait3A_861, %dma_wait3A_862] : memref<8x400x32xf32, #tpu.memory_space<vmem>> -> memref<1x400x32xf32, #tpu.memory_space<vmem>>
        %dma_wait3A_864 = tpu.memref_squeeze %dma_wait3A_863 : memref<1x400x32xf32, #tpu.memory_space<vmem>> -> memref<400x32xf32, #tpu.memory_space<vmem>>
        tpu.wait_dma2 semaphore(%dma_wait3A_858 : memref<!tpu.dma_semaphore, #tpu.memory_space<semaphore_mem>>) src(%dma_wait3A_864 : memref<400x32xf32, #tpu.memory_space<vmem>>) dst(%dma_wait3A_860 : memref<400x32xf32, #tpu.memory_space<hbm>>)
        %dma_wait3A_865 = arith.constant 2 : i32
        %dma_wait3A_866 = arith.constant 0 : i32
        %dma_wait3A_867 = arith.constant 0 : i32
        %dma_wait3A_868 = arith.constant 0 : i32
        %dma_wait3A_869 = tpu.memref_slice %arg6[%dma_wait3A_865, %dma_wait3A_867, %dma_wait3A_868] : memref<8x400x32xf32, #tpu.memory_space<vmem>> -> memref<1x400x32xf32, #tpu.memory_space<vmem>>
        %dma_wait3A_870 = tpu.memref_squeeze %dma_wait3A_869 : memref<1x400x32xf32, #tpu.memory_space<vmem>> -> memref<400x32xf32, #tpu.memory_space<vmem>>
        %dma_wait3A_871 = arith.constant 0 : i32
        %dma_wait3A_872 = tpu.memref_slice %arg4[%mul3A_2, %dma_wait3A_871] : memref<819200x32xf32, #tpu.memory_space<hbm>> -> memref<400x32xf32, #tpu.memory_space<hbm>>
        %dma_wait3A_873 = tpu.memref_slice %arg9[%dma_wait3A_866] : memref<2x!tpu.dma_semaphore, #tpu.memory_space<semaphore_mem>> -> memref<1x!tpu.dma_semaphore, #tpu.memory_space<semaphore_mem>>
        %dma_wait3A_874 = tpu.memref_squeeze %dma_wait3A_873 : memref<1x!tpu.dma_semaphore, #tpu.memory_space<semaphore_mem>> -> memref<!tpu.dma_semaphore, #tpu.memory_space<semaphore_mem>>
        %dma_wait3A_875 = arith.constant 0 : i32
        %dma_wait3A_876 = tpu.memref_slice %arg4[%mul3A_2, %dma_wait3A_875] : memref<819200x32xf32, #tpu.memory_space<hbm>> -> memref<400x32xf32, #tpu.memory_space<hbm>>
        %dma_wait3A_877 = arith.constant 0 : i32
        %dma_wait3A_878 = arith.constant 0 : i32
        %dma_wait3A_879 = tpu.memref_slice %arg6[%dma_wait3A_865, %dma_wait3A_877, %dma_wait3A_878] : memref<8x400x32xf32, #tpu.memory_space<vmem>> -> memref<1x400x32xf32, #tpu.memory_space<vmem>>
        %dma_wait3A_880 = tpu.memref_squeeze %dma_wait3A_879 : memref<1x400x32xf32, #tpu.memory_space<vmem>> -> memref<400x32xf32, #tpu.memory_space<vmem>>
        tpu.wait_dma2 semaphore(%dma_wait3A_874 : memref<!tpu.dma_semaphore, #tpu.memory_space<semaphore_mem>>) src(%dma_wait3A_880 : memref<400x32xf32, #tpu.memory_space<vmem>>) dst(%dma_wait3A_876 : memref<400x32xf32, #tpu.memory_space<hbm>>)
        %dma_wait3A_881 = arith.constant 3 : i32
        %dma_wait3A_882 = arith.constant 0 : i32
        %dma_wait3A_883 = arith.constant 0 : i32
        %dma_wait3A_884 = arith.constant 0 : i32
        %dma_wait3A_885 = tpu.memref_slice %arg6[%dma_wait3A_881, %dma_wait3A_883, %dma_wait3A_884] : memref<8x400x32xf32, #tpu.memory_space<vmem>> -> memref<1x400x32xf32, #tpu.memory_space<vmem>>
        %dma_wait3A_886 = tpu.memref_squeeze %dma_wait3A_885 : memref<1x400x32xf32, #tpu.memory_space<vmem>> -> memref<400x32xf32, #tpu.memory_space<vmem>>
        %dma_wait3A_887 = arith.constant 0 : i32
        %dma_wait3A_888 = tpu.memref_slice %arg4[%mul3A_2, %dma_wait3A_887] : memref<819200x32xf32, #tpu.memory_space<hbm>> -> memref<400x32xf32, #tpu.memory_space<hbm>>
        %dma_wait3A_889 = tpu.memref_slice %arg9[%dma_wait3A_882] : memref<2x!tpu.dma_semaphore, #tpu.memory_space<semaphore_mem>> -> memref<1x!tpu.dma_semaphore, #tpu.memory_space<semaphore_mem>>
        %dma_wait3A_890 = tpu.memref_squeeze %dma_wait3A_889 : memref<1x!tpu.dma_semaphore, #tpu.memory_space<semaphore_mem>> -> memref<!tpu.dma_semaphore, #tpu.memory_space<semaphore_mem>>
        %dma_wait3A_891 = arith.constant 0 : i32
        %dma_wait3A_892 = tpu.memref_slice %arg4[%mul3A_2, %dma_wait3A_891] : memref<819200x32xf32, #tpu.memory_space<hbm>> -> memref<400x32xf32, #tpu.memory_space<hbm>>
        %dma_wait3A_893 = arith.constant 0 : i32
        %dma_wait3A_894 = arith.constant 0 : i32
        %dma_wait3A_895 = tpu.memref_slice %arg6[%dma_wait3A_881, %dma_wait3A_893, %dma_wait3A_894] : memref<8x400x32xf32, #tpu.memory_space<vmem>> -> memref<1x400x32xf32, #tpu.memory_space<vmem>>
        %dma_wait3A_896 = tpu.memref_squeeze %dma_wait3A_895 : memref<1x400x32xf32, #tpu.memory_space<vmem>> -> memref<400x32xf32, #tpu.memory_space<vmem>>
        tpu.wait_dma2 semaphore(%dma_wait3A_890 : memref<!tpu.dma_semaphore, #tpu.memory_space<semaphore_mem>>) src(%dma_wait3A_896 : memref<400x32xf32, #tpu.memory_space<vmem>>) dst(%dma_wait3A_892 : memref<400x32xf32, #tpu.memory_space<hbm>>)
      } else {
      }
      %mul3A_220 = arith.constant 4 : i32
      %mul3A_221 = arith.muli %add3A_142, %mul3A_220 : i32
      %add3A_222 = arith.constant 0 : i32
      %add3A_223 = arith.addi %mul3A_221, %add3A_222 : i32
      %mul3A_224 = arith.constant 400 : i32
      %mul3A_225 = arith.muli %add3A_223, %mul3A_224 : i32
      %add3A_226 = arith.addi %mul3A_2, %mul3A_225 : i32
      %dma_wait3A_227 = arith.constant 0 : i32
      %dma_wait3A_228 = arith.constant 0 : i32
      %dma_wait3A_229 = arith.constant 0 : i32
      %dma_wait3A_230 = tpu.memref_slice %arg5[%dma_wait3A_227, %dma_wait3A_229] : memref<8x400xi32, #tpu.memory_space<vmem>> -> memref<1x400xi32, #tpu.memory_space<vmem>>
      %dma_wait3A_231 = tpu.memref_squeeze %dma_wait3A_230 : memref<1x400xi32, #tpu.memory_space<vmem>> -> memref<400xi32, #tpu.memory_space<vmem>>
      %dma_wait3A_232 = tpu.memref_slice %arg2[%add3A_226] : memref<819200xi32, #tpu.memory_space<hbm>> -> memref<400xi32, #tpu.memory_space<hbm>>
      %dma_wait3A_233 = tpu.memref_slice %arg7[%dma_wait3A_228] : memref<2x!tpu.dma_semaphore, #tpu.memory_space<semaphore_mem>> -> memref<1x!tpu.dma_semaphore, #tpu.memory_space<semaphore_mem>>
      %dma_wait3A_234 = tpu.memref_squeeze %dma_wait3A_233 : memref<1x!tpu.dma_semaphore, #tpu.memory_space<semaphore_mem>> -> memref<!tpu.dma_semaphore, #tpu.memory_space<semaphore_mem>>
      %dma_wait3A_235 = arith.constant 0 : i32
      %dma_wait3A_236 = tpu.memref_slice %arg5[%dma_wait3A_227, %dma_wait3A_235] : memref<8x400xi32, #tpu.memory_space<vmem>> -> memref<1x400xi32, #tpu.memory_space<vmem>>
      %dma_wait3A_237 = tpu.memref_squeeze %dma_wait3A_236 : memref<1x400xi32, #tpu.memory_space<vmem>> -> memref<400xi32, #tpu.memory_space<vmem>>
      %dma_wait3A_238 = tpu.memref_slice %arg2[%add3A_226] : memref<819200xi32, #tpu.memory_space<hbm>> -> memref<400xi32, #tpu.memory_space<hbm>>
      tpu.wait_dma2 semaphore(%dma_wait3A_234 : memref<!tpu.dma_semaphore, #tpu.memory_space<semaphore_mem>>) src(%dma_wait3A_238 : memref<400xi32, #tpu.memory_space<hbm>>) dst(%dma_wait3A_237 : memref<400xi32, #tpu.memory_space<vmem>>)
      %mul3A_239 = arith.constant 4 : i32
      %mul3A_240 = arith.muli %add3A_142, %mul3A_239 : i32
      %add3A_241 = arith.constant 1 : i32
      %add3A_242 = arith.addi %mul3A_240, %add3A_241 : i32
      %mul3A_243 = arith.constant 400 : i32
      %mul3A_244 = arith.muli %add3A_242, %mul3A_243 : i32
      %add3A_245 = arith.addi %mul3A_2, %mul3A_244 : i32
      %dma_wait3A_246 = arith.constant 1 : i32
      %dma_wait3A_247 = arith.constant 0 : i32
      %dma_wait3A_248 = arith.constant 0 : i32
      %dma_wait3A_249 = tpu.memref_slice %arg5[%dma_wait3A_246, %dma_wait3A_248] : memref<8x400xi32, #tpu.memory_space<vmem>> -> memref<1x400xi32, #tpu.memory_space<vmem>>
      %dma_wait3A_250 = tpu.memref_squeeze %dma_wait3A_249 : memref<1x400xi32, #tpu.memory_space<vmem>> -> memref<400xi32, #tpu.memory_space<vmem>>
      %dma_wait3A_251 = tpu.memref_slice %arg2[%add3A_245] : memref<819200xi32, #tpu.memory_space<hbm>> -> memref<400xi32, #tpu.memory_space<hbm>>
      %dma_wait3A_252 = tpu.memref_slice %arg7[%dma_wait3A_247] : memref<2x!tpu.dma_semaphore, #tpu.memory_space<semaphore_mem>> -> memref<1x!tpu.dma_semaphore, #tpu.memory_space<semaphore_mem>>
      %dma_wait3A_253 = tpu.memref_squeeze %dma_wait3A_252 : memref<1x!tpu.dma_semaphore, #tpu.memory_space<semaphore_mem>> -> memref<!tpu.dma_semaphore, #tpu.memory_space<semaphore_mem>>
      %dma_wait3A_254 = arith.constant 0 : i32
      %dma_wait3A_255 = tpu.memref_slice %arg5[%dma_wait3A_246, %dma_wait3A_254] : memref<8x400xi32, #tpu.memory_space<vmem>> -> memref<1x400xi32, #tpu.memory_space<vmem>>
      %dma_wait3A_256 = tpu.memref_squeeze %dma_wait3A_255 : memref<1x400xi32, #tpu.memory_space<vmem>> -> memref<400xi32, #tpu.memory_space<vmem>>
      %dma_wait3A_257 = tpu.memref_slice %arg2[%add3A_245] : memref<819200xi32, #tpu.memory_space<hbm>> -> memref<400xi32, #tpu.memory_space<hbm>>
      tpu.wait_dma2 semaphore(%dma_wait3A_253 : memref<!tpu.dma_semaphore, #tpu.memory_space<semaphore_mem>>) src(%dma_wait3A_257 : memref<400xi32, #tpu.memory_space<hbm>>) dst(%dma_wait3A_256 : memref<400xi32, #tpu.memory_space<vmem>>)
      %mul3A_258 = arith.constant 4 : i32
      %mul3A_259 = arith.muli %add3A_142, %mul3A_258 : i32
      %add3A_260 = arith.constant 2 : i32
      %add3A_261 = arith.addi %mul3A_259, %add3A_260 : i32
      %mul3A_262 = arith.constant 400 : i32
      %mul3A_263 = arith.muli %add3A_261, %mul3A_262 : i32
      %add3A_264 = arith.addi %mul3A_2, %mul3A_263 : i32
      %dma_wait3A_265 = arith.constant 2 : i32
      %dma_wait3A_266 = arith.constant 0 : i32
      %dma_wait3A_267 = arith.constant 0 : i32
      %dma_wait3A_268 = tpu.memref_slice %arg5[%dma_wait3A_265, %dma_wait3A_267] : memref<8x400xi32, #tpu.memory_space<vmem>> -> memref<1x400xi32, #tpu.memory_space<vmem>>
      %dma_wait3A_269 = tpu.memref_squeeze %dma_wait3A_268 : memref<1x400xi32, #tpu.memory_space<vmem>> -> memref<400xi32, #tpu.memory_space<vmem>>
      %dma_wait3A_270 = tpu.memref_slice %arg2[%add3A_264] : memref<819200xi32, #tpu.memory_space<hbm>> -> memref<400xi32, #tpu.memory_space<hbm>>
      %dma_wait3A_271 = tpu.memref_slice %arg7[%dma_wait3A_266] : memref<2x!tpu.dma_semaphore, #tpu.memory_space<semaphore_mem>> -> memref<1x!tpu.dma_semaphore, #tpu.memory_space<semaphore_mem>>
      %dma_wait3A_272 = tpu.memref_squeeze %dma_wait3A_271 : memref<1x!tpu.dma_semaphore, #tpu.memory_space<semaphore_mem>> -> memref<!tpu.dma_semaphore, #tpu.memory_space<semaphore_mem>>
      %dma_wait3A_273 = arith.constant 0 : i32
      %dma_wait3A_274 = tpu.memref_slice %arg5[%dma_wait3A_265, %dma_wait3A_273] : memref<8x400xi32, #tpu.memory_space<vmem>> -> memref<1x400xi32, #tpu.memory_space<vmem>>
      %dma_wait3A_275 = tpu.memref_squeeze %dma_wait3A_274 : memref<1x400xi32, #tpu.memory_space<vmem>> -> memref<400xi32, #tpu.memory_space<vmem>>
      %dma_wait3A_276 = tpu.memref_slice %arg2[%add3A_264] : memref<819200xi32, #tpu.memory_space<hbm>> -> memref<400xi32, #tpu.memory_space<hbm>>
      tpu.wait_dma2 semaphore(%dma_wait3A_272 : memref<!tpu.dma_semaphore, #tpu.memory_space<semaphore_mem>>) src(%dma_wait3A_276 : memref<400xi32, #tpu.memory_space<hbm>>) dst(%dma_wait3A_275 : memref<400xi32, #tpu.memory_space<vmem>>)
      %mul3A_277 = arith.constant 4 : i32
      %mul3A_278 = arith.muli %add3A_142, %mul3A_277 : i32
      %add3A_279 = arith.constant 3 : i32
      %add3A_280 = arith.addi %mul3A_278, %add3A_279 : i32
      %mul3A_281 = arith.constant 400 : i32
      %mul3A_282 = arith.muli %add3A_280, %mul3A_281 : i32
      %add3A_283 = arith.addi %mul3A_2, %mul3A_282 : i32
      %dma_wait3A_284 = arith.constant 3 : i32
      %dma_wait3A_285 = arith.constant 0 : i32
      %dma_wait3A_286 = arith.constant 0 : i32
      %dma_wait3A_287 = tpu.memref_slice %arg5[%dma_wait3A_284, %dma_wait3A_286] : memref<8x400xi32, #tpu.memory_space<vmem>> -> memref<1x400xi32, #tpu.memory_space<vmem>>
      %dma_wait3A_288 = tpu.memref_squeeze %dma_wait3A_287 : memref<1x400xi32, #tpu.memory_space<vmem>> -> memref<400xi32, #tpu.memory_space<vmem>>
      %dma_wait3A_289 = tpu.memref_slice %arg2[%add3A_283] : memref<819200xi32, #tpu.memory_space<hbm>> -> memref<400xi32, #tpu.memory_space<hbm>>
      %dma_wait3A_290 = tpu.memref_slice %arg7[%dma_wait3A_285] : memref<2x!tpu.dma_semaphore, #tpu.memory_space<semaphore_mem>> -> memref<1x!tpu.dma_semaphore, #tpu.memory_space<semaphore_mem>>
      %dma_wait3A_291 = tpu.memref_squeeze %dma_wait3A_290 : memref<1x!tpu.dma_semaphore, #tpu.memory_space<semaphore_mem>> -> memref<!tpu.dma_semaphore, #tpu.memory_space<semaphore_mem>>
      %dma_wait3A_292 = arith.constant 0 : i32
      %dma_wait3A_293 = tpu.memref_slice %arg5[%dma_wait3A_284, %dma_wait3A_292] : memref<8x400xi32, #tpu.memory_space<vmem>> -> memref<1x400xi32, #tpu.memory_space<vmem>>
      %dma_wait3A_294 = tpu.memref_squeeze %dma_wait3A_293 : memref<1x400xi32, #tpu.memory_space<vmem>> -> memref<400xi32, #tpu.memory_space<vmem>>
      %dma_wait3A_295 = tpu.memref_slice %arg2[%add3A_283] : memref<819200xi32, #tpu.memory_space<hbm>> -> memref<400xi32, #tpu.memory_space<hbm>>
      tpu.wait_dma2 semaphore(%dma_wait3A_291 : memref<!tpu.dma_semaphore, #tpu.memory_space<semaphore_mem>>) src(%dma_wait3A_295 : memref<400xi32, #tpu.memory_space<hbm>>) dst(%dma_wait3A_294 : memref<400xi32, #tpu.memory_space<vmem>>)
      %dma_start3A_296 = arith.constant 0 : i32
      %dma_start3A_297 = arith.constant 0 : i32
      %dma_start3A_298 = arith.constant 0 : i32
      %dma_start3A_299 = arith.constant 0 : i32
      %dma_start3A_300 = tpu.memref_slice %arg6[%dma_start3A_297, %dma_start3A_298, %dma_start3A_299] : memref<8x400x32xf32, #tpu.memory_space<vmem>> -> memref<1x400x32xf32, #tpu.memory_space<vmem>>
      %dma_start3A_301 = tpu.memref_squeeze %dma_start3A_300 : memref<1x400x32xf32, #tpu.memory_space<vmem>> -> memref<400x32xf32, #tpu.memory_space<vmem>>
      %dma_start3A_302 = arith.constant 0 : i32
      %dma_start3A_303 = tpu.memref_slice %arg5[%dma_start3A_296, %dma_start3A_302] : memref<8x400xi32, #tpu.memory_space<vmem>> -> memref<1x400xi32, #tpu.memory_space<vmem>>
      %dma_start3A_304 = tpu.memref_squeeze %dma_start3A_303 : memref<1x400xi32, #tpu.memory_space<vmem>> -> memref<400xi32, #tpu.memory_space<vmem>>
      %dma_start3A_305 = arith.constant 0 : i32
      %dma_start3A_306 = arith.constant 0 : i32
      %dma_start3A_307 = tpu.memref_slice %arg3[%dma_start3A_305, %dma_start3A_306] : memref<1000000x32xf32, #tpu.memory_space<hbm>> -> memref<1000000x32xf32, #tpu.memory_space<hbm>>
      tpu.enqueue_indirect_dma source(%dma_start3A_307 : memref<1000000x32xf32, #tpu.memory_space<hbm>>) target(%dma_start3A_301 : memref<400x32xf32, #tpu.memory_space<vmem>>) offsets(%dma_start3A_304 : memref<400xi32, #tpu.memory_space<vmem>>) semaphore(%arg8 : memref<!tpu.dma_semaphore, #tpu.memory_space<semaphore_mem>>)
      %dma_start3A_308 = arith.constant 1 : i32
      %dma_start3A_309 = arith.constant 1 : i32
      %dma_start3A_310 = arith.constant 0 : i32
      %dma_start3A_311 = arith.constant 0 : i32
      %dma_start3A_312 = tpu.memref_slice %arg6[%dma_start3A_309, %dma_start3A_310, %dma_start3A_311] : memref<8x400x32xf32, #tpu.memory_space<vmem>> -> memref<1x400x32xf32, #tpu.memory_space<vmem>>
      %dma_start3A_313 = tpu.memref_squeeze %dma_start3A_312 : memref<1x400x32xf32, #tpu.memory_space<vmem>> -> memref<400x32xf32, #tpu.memory_space<vmem>>
      %dma_start3A_314 = arith.constant 0 : i32
      %dma_start3A_315 = tpu.memref_slice %arg5[%dma_start3A_308, %dma_start3A_314] : memref<8x400xi32, #tpu.memory_space<vmem>> -> memref<1x400xi32, #tpu.memory_space<vmem>>
      %dma_start3A_316 = tpu.memref_squeeze %dma_start3A_315 : memref<1x400xi32, #tpu.memory_space<vmem>> -> memref<400xi32, #tpu.memory_space<vmem>>
      %dma_start3A_317 = arith.constant 0 : i32
      %dma_start3A_318 = arith.constant 0 : i32
      %dma_start3A_319 = tpu.memref_slice %arg3[%dma_start3A_317, %dma_start3A_318] : memref<1000000x32xf32, #tpu.memory_space<hbm>> -> memref<1000000x32xf32, #tpu.memory_space<hbm>>
      tpu.enqueue_indirect_dma source(%dma_start3A_319 : memref<1000000x32xf32, #tpu.memory_space<hbm>>) target(%dma_start3A_313 : memref<400x32xf32, #tpu.memory_space<vmem>>) offsets(%dma_start3A_316 : memref<400xi32, #tpu.memory_space<vmem>>) semaphore(%arg8 : memref<!tpu.dma_semaphore, #tpu.memory_space<semaphore_mem>>)
      %dma_start3A_320 = arith.constant 2 : i32
      %dma_start3A_321 = arith.constant 2 : i32
      %dma_start3A_322 = arith.constant 0 : i32
      %dma_start3A_323 = arith.constant 0 : i32
      %dma_start3A_324 = tpu.memref_slice %arg6[%dma_start3A_321, %dma_start3A_322, %dma_start3A_323] : memref<8x400x32xf32, #tpu.memory_space<vmem>> -> memref<1x400x32xf32, #tpu.memory_space<vmem>>
      %dma_start3A_325 = tpu.memref_squeeze %dma_start3A_324 : memref<1x400x32xf32, #tpu.memory_space<vmem>> -> memref<400x32xf32, #tpu.memory_space<vmem>>
      %dma_start3A_326 = arith.constant 0 : i32
      %dma_start3A_327 = tpu.memref_slice %arg5[%dma_start3A_320, %dma_start3A_326] : memref<8x400xi32, #tpu.memory_space<vmem>> -> memref<1x400xi32, #tpu.memory_space<vmem>>
      %dma_start3A_328 = tpu.memref_squeeze %dma_start3A_327 : memref<1x400xi32, #tpu.memory_space<vmem>> -> memref<400xi32, #tpu.memory_space<vmem>>
      %dma_start3A_329 = arith.constant 0 : i32
      %dma_start3A_330 = arith.constant 0 : i32
      %dma_start3A_331 = tpu.memref_slice %arg3[%dma_start3A_329, %dma_start3A_330] : memref<1000000x32xf32, #tpu.memory_space<hbm>> -> memref<1000000x32xf32, #tpu.memory_space<hbm>>
      tpu.enqueue_indirect_dma source(%dma_start3A_331 : memref<1000000x32xf32, #tpu.memory_space<hbm>>) target(%dma_start3A_325 : memref<400x32xf32, #tpu.memory_space<vmem>>) offsets(%dma_start3A_328 : memref<400xi32, #tpu.memory_space<vmem>>) semaphore(%arg8 : memref<!tpu.dma_semaphore, #tpu.memory_space<semaphore_mem>>)
      %dma_start3A_332 = arith.constant 3 : i32
      %dma_start3A_333 = arith.constant 3 : i32
      %dma_start3A_334 = arith.constant 0 : i32
      %dma_start3A_335 = arith.constant 0 : i32
      %dma_start3A_336 = tpu.memref_slice %arg6[%dma_start3A_333, %dma_start3A_334, %dma_start3A_335] : memref<8x400x32xf32, #tpu.memory_space<vmem>> -> memref<1x400x32xf32, #tpu.memory_space<vmem>>
      %dma_start3A_337 = tpu.memref_squeeze %dma_start3A_336 : memref<1x400x32xf32, #tpu.memory_space<vmem>> -> memref<400x32xf32, #tpu.memory_space<vmem>>
      %dma_start3A_338 = arith.constant 0 : i32
      %dma_start3A_339 = tpu.memref_slice %arg5[%dma_start3A_332, %dma_start3A_338] : memref<8x400xi32, #tpu.memory_space<vmem>> -> memref<1x400xi32, #tpu.memory_space<vmem>>
      %dma_start3A_340 = tpu.memref_squeeze %dma_start3A_339 : memref<1x400xi32, #tpu.memory_space<vmem>> -> memref<400xi32, #tpu.memory_space<vmem>>
      %dma_start3A_341 = arith.constant 0 : i32
      %dma_start3A_342 = arith.constant 0 : i32
      %dma_start3A_343 = tpu.memref_slice %arg3[%dma_start3A_341, %dma_start3A_342] : memref<1000000x32xf32, #tpu.memory_space<hbm>> -> memref<1000000x32xf32, #tpu.memory_space<hbm>>
      tpu.enqueue_indirect_dma source(%dma_start3A_343 : memref<1000000x32xf32, #tpu.memory_space<hbm>>) target(%dma_start3A_337 : memref<400x32xf32, #tpu.memory_space<vmem>>) offsets(%dma_start3A_340 : memref<400xi32, #tpu.memory_space<vmem>>) semaphore(%arg8 : memref<!tpu.dma_semaphore, #tpu.memory_space<semaphore_mem>>)
      %dma_wait3A_344 = arith.constant 0 : i32
      %dma_wait3A_345 = arith.constant 0 : i32
      %dma_wait3A_346 = arith.constant 0 : i32
      %dma_wait3A_347 = arith.constant 0 : i32
      %dma_wait3A_348 = tpu.memref_slice %arg6[%dma_wait3A_345, %dma_wait3A_346, %dma_wait3A_347] : memref<8x400x32xf32, #tpu.memory_space<vmem>> -> memref<1x400x32xf32, #tpu.memory_space<vmem>>
      %dma_wait3A_349 = tpu.memref_squeeze %dma_wait3A_348 : memref<1x400x32xf32, #tpu.memory_space<vmem>> -> memref<400x32xf32, #tpu.memory_space<vmem>>
      %dma_wait3A_350 = arith.constant 0 : i32
      %dma_wait3A_351 = tpu.memref_slice %arg5[%dma_wait3A_344, %dma_wait3A_350] : memref<8x400xi32, #tpu.memory_space<vmem>> -> memref<1x400xi32, #tpu.memory_space<vmem>>
      %dma_wait3A_352 = tpu.memref_squeeze %dma_wait3A_351 : memref<1x400xi32, #tpu.memory_space<vmem>> -> memref<400xi32, #tpu.memory_space<vmem>>
      %dma_wait3A_353 = arith.constant 0 : i32
      %dma_wait3A_354 = arith.constant 0 : i32
      %dma_wait3A_355 = tpu.memref_slice %arg3[%dma_wait3A_353, %dma_wait3A_354] : memref<1000000x32xf32, #tpu.memory_space<hbm>> -> memref<1000000x32xf32, #tpu.memory_space<hbm>>
      tpu.wait_indirect_dma semaphore(%arg8 : memref<!tpu.dma_semaphore, #tpu.memory_space<semaphore_mem>>) src(%dma_wait3A_355 : memref<1000000x32xf32, #tpu.memory_space<hbm>>) dst(%dma_wait3A_349 : memref<400x32xf32, #tpu.memory_space<vmem>>)
      %dma_wait3A_356 = arith.constant 1 : i32
      %dma_wait3A_357 = arith.constant 1 : i32
      %dma_wait3A_358 = arith.constant 0 : i32
      %dma_wait3A_359 = arith.constant 0 : i32
      %dma_wait3A_360 = tpu.memref_slice %arg6[%dma_wait3A_357, %dma_wait3A_358, %dma_wait3A_359] : memref<8x400x32xf32, #tpu.memory_space<vmem>> -> memref<1x400x32xf32, #tpu.memory_space<vmem>>
      %dma_wait3A_361 = tpu.memref_squeeze %dma_wait3A_360 : memref<1x400x32xf32, #tpu.memory_space<vmem>> -> memref<400x32xf32, #tpu.memory_space<vmem>>
      %dma_wait3A_362 = arith.constant 0 : i32
      %dma_wait3A_363 = tpu.memref_slice %arg5[%dma_wait3A_356, %dma_wait3A_362] : memref<8x400xi32, #tpu.memory_space<vmem>> -> memref<1x400xi32, #tpu.memory_space<vmem>>
      %dma_wait3A_364 = tpu.memref_squeeze %dma_wait3A_363 : memref<1x400xi32, #tpu.memory_space<vmem>> -> memref<400xi32, #tpu.memory_space<vmem>>
      %dma_wait3A_365 = arith.constant 0 : i32
      %dma_wait3A_366 = arith.constant 0 : i32
      %dma_wait3A_367 = tpu.memref_slice %arg3[%dma_wait3A_365, %dma_wait3A_366] : memref<1000000x32xf32, #tpu.memory_space<hbm>> -> memref<1000000x32xf32, #tpu.memory_space<hbm>>
      tpu.wait_indirect_dma semaphore(%arg8 : memref<!tpu.dma_semaphore, #tpu.memory_space<semaphore_mem>>) src(%dma_wait3A_367 : memref<1000000x32xf32, #tpu.memory_space<hbm>>) dst(%dma_wait3A_361 : memref<400x32xf32, #tpu.memory_space<vmem>>)
      %dma_wait3A_368 = arith.constant 2 : i32
      %dma_wait3A_369 = arith.constant 2 : i32
      %dma_wait3A_370 = arith.constant 0 : i32
      %dma_wait3A_371 = arith.constant 0 : i32
      %dma_wait3A_372 = tpu.memref_slice %arg6[%dma_wait3A_369, %dma_wait3A_370, %dma_wait3A_371] : memref<8x400x32xf32, #tpu.memory_space<vmem>> -> memref<1x400x32xf32, #tpu.memory_space<vmem>>
      %dma_wait3A_373 = tpu.memref_squeeze %dma_wait3A_372 : memref<1x400x32xf32, #tpu.memory_space<vmem>> -> memref<400x32xf32, #tpu.memory_space<vmem>>
      %dma_wait3A_374 = arith.constant 0 : i32
      %dma_wait3A_375 = tpu.memref_slice %arg5[%dma_wait3A_368, %dma_wait3A_374] : memref<8x400xi32, #tpu.memory_space<vmem>> -> memref<1x400xi32, #tpu.memory_space<vmem>>
      %dma_wait3A_376 = tpu.memref_squeeze %dma_wait3A_375 : memref<1x400xi32, #tpu.memory_space<vmem>> -> memref<400xi32, #tpu.memory_space<vmem>>
      %dma_wait3A_377 = arith.constant 0 : i32
      %dma_wait3A_378 = arith.constant 0 : i32
      %dma_wait3A_379 = tpu.memref_slice %arg3[%dma_wait3A_377, %dma_wait3A_378] : memref<1000000x32xf32, #tpu.memory_space<hbm>> -> memref<1000000x32xf32, #tpu.memory_space<hbm>>
      tpu.wait_indirect_dma semaphore(%arg8 : memref<!tpu.dma_semaphore, #tpu.memory_space<semaphore_mem>>) src(%dma_wait3A_379 : memref<1000000x32xf32, #tpu.memory_space<hbm>>) dst(%dma_wait3A_373 : memref<400x32xf32, #tpu.memory_space<vmem>>)
      %dma_wait3A_380 = arith.constant 3 : i32
      %dma_wait3A_381 = arith.constant 3 : i32
      %dma_wait3A_382 = arith.constant 0 : i32
      %dma_wait3A_383 = arith.constant 0 : i32
      %dma_wait3A_384 = tpu.memref_slice %arg6[%dma_wait3A_381, %dma_wait3A_382, %dma_wait3A_383] : memref<8x400x32xf32, #tpu.memory_space<vmem>> -> memref<1x400x32xf32, #tpu.memory_space<vmem>>
      %dma_wait3A_385 = tpu.memref_squeeze %dma_wait3A_384 : memref<1x400x32xf32, #tpu.memory_space<vmem>> -> memref<400x32xf32, #tpu.memory_space<vmem>>
      %dma_wait3A_386 = arith.constant 0 : i32
      %dma_wait3A_387 = tpu.memref_slice %arg5[%dma_wait3A_380, %dma_wait3A_386] : memref<8x400xi32, #tpu.memory_space<vmem>> -> memref<1x400xi32, #tpu.memory_space<vmem>>
      %dma_wait3A_388 = tpu.memref_squeeze %dma_wait3A_387 : memref<1x400xi32, #tpu.memory_space<vmem>> -> memref<400xi32, #tpu.memory_space<vmem>>
      %dma_wait3A_389 = arith.constant 0 : i32
      %dma_wait3A_390 = arith.constant 0 : i32
      %dma_wait3A_391 = tpu.memref_slice %arg3[%dma_wait3A_389, %dma_wait3A_390] : memref<1000000x32xf32, #tpu.memory_space<hbm>> -> memref<1000000x32xf32, #tpu.memory_space<hbm>>
      tpu.wait_indirect_dma semaphore(%arg8 : memref<!tpu.dma_semaphore, #tpu.memory_space<semaphore_mem>>) src(%dma_wait3A_391 : memref<1000000x32xf32, #tpu.memory_space<hbm>>) dst(%dma_wait3A_385 : memref<400x32xf32, #tpu.memory_space<vmem>>)
      %mul3A_392 = arith.constant 4 : i32
      %mul3A_393 = arith.muli %add3A_142, %mul3A_392 : i32
      %add3A_394 = arith.constant 0 : i32
      %add3A_395 = arith.addi %mul3A_393, %add3A_394 : i32
      %mul3A_396 = arith.constant 400 : i32
      %mul3A_397 = arith.muli %add3A_395, %mul3A_396 : i32
      %add3A_398 = arith.addi %mul3A_2, %mul3A_397 : i32
      %dma_start3A_399 = arith.constant 0 : i32
      %dma_start3A_400 = arith.constant 0 : i32
      %dma_start3A_401 = arith.constant 0 : i32
      %dma_start3A_402 = arith.constant 0 : i32
      %dma_start3A_403 = tpu.memref_slice %arg6[%dma_start3A_399, %dma_start3A_401, %dma_start3A_402] : memref<8x400x32xf32, #tpu.memory_space<vmem>> -> memref<1x400x32xf32, #tpu.memory_space<vmem>>
      %dma_start3A_404 = tpu.memref_squeeze %dma_start3A_403 : memref<1x400x32xf32, #tpu.memory_space<vmem>> -> memref<400x32xf32, #tpu.memory_space<vmem>>
      %dma_start3A_405 = arith.constant 0 : i32
      %dma_start3A_406 = tpu.memref_slice %arg4[%add3A_398, %dma_start3A_405] : memref<819200x32xf32, #tpu.memory_space<hbm>> -> memref<400x32xf32, #tpu.memory_space<hbm>>
      %dma_start3A_407 = tpu.memref_slice %arg9[%dma_start3A_400] : memref<2x!tpu.dma_semaphore, #tpu.memory_space<semaphore_mem>> -> memref<1x!tpu.dma_semaphore, #tpu.memory_space<semaphore_mem>>
      %dma_start3A_408 = tpu.memref_squeeze %dma_start3A_407 : memref<1x!tpu.dma_semaphore, #tpu.memory_space<semaphore_mem>> -> memref<!tpu.dma_semaphore, #tpu.memory_space<semaphore_mem>>
      %dma_start3A_409 = arith.constant 0 : i32
      %dma_start3A_410 = tpu.memref_slice %arg4[%add3A_398, %dma_start3A_409] : memref<819200x32xf32, #tpu.memory_space<hbm>> -> memref<400x32xf32, #tpu.memory_space<hbm>>
      %dma_start3A_411 = arith.constant 0 : i32
      %dma_start3A_412 = arith.constant 0 : i32
      %dma_start3A_413 = tpu.memref_slice %arg6[%dma_start3A_399, %dma_start3A_411, %dma_start3A_412] : memref<8x400x32xf32, #tpu.memory_space<vmem>> -> memref<1x400x32xf32, #tpu.memory_space<vmem>>
      %dma_start3A_414 = tpu.memref_squeeze %dma_start3A_413 : memref<1x400x32xf32, #tpu.memory_space<vmem>> -> memref<400x32xf32, #tpu.memory_space<vmem>>
      tpu.enqueue_dma source(%dma_start3A_414 : memref<400x32xf32, #tpu.memory_space<vmem>>) target(%dma_start3A_410 : memref<400x32xf32, #tpu.memory_space<hbm>>) target_semaphore(%dma_start3A_408 : memref<!tpu.dma_semaphore, #tpu.memory_space<semaphore_mem>>)
      %mul3A_415 = arith.constant 4 : i32
      %mul3A_416 = arith.muli %add3A_142, %mul3A_415 : i32
      %add3A_417 = arith.constant 1 : i32
      %add3A_418 = arith.addi %mul3A_416, %add3A_417 : i32
      %mul3A_419 = arith.constant 400 : i32
      %mul3A_420 = arith.muli %add3A_418, %mul3A_419 : i32
      %add3A_421 = arith.addi %mul3A_2, %mul3A_420 : i32
      %dma_start3A_422 = arith.constant 1 : i32
      %dma_start3A_423 = arith.constant 0 : i32
      %dma_start3A_424 = arith.constant 0 : i32
      %dma_start3A_425 = arith.constant 0 : i32
      %dma_start3A_426 = tpu.memref_slice %arg6[%dma_start3A_422, %dma_start3A_424, %dma_start3A_425] : memref<8x400x32xf32, #tpu.memory_space<vmem>> -> memref<1x400x32xf32, #tpu.memory_space<vmem>>
      %dma_start3A_427 = tpu.memref_squeeze %dma_start3A_426 : memref<1x400x32xf32, #tpu.memory_space<vmem>> -> memref<400x32xf32, #tpu.memory_space<vmem>>
      %dma_start3A_428 = arith.constant 0 : i32
      %dma_start3A_429 = tpu.memref_slice %arg4[%add3A_421, %dma_start3A_428] : memref<819200x32xf32, #tpu.memory_space<hbm>> -> memref<400x32xf32, #tpu.memory_space<hbm>>
      %dma_start3A_430 = tpu.memref_slice %arg9[%dma_start3A_423] : memref<2x!tpu.dma_semaphore, #tpu.memory_space<semaphore_mem>> -> memref<1x!tpu.dma_semaphore, #tpu.memory_space<semaphore_mem>>
      %dma_start3A_431 = tpu.memref_squeeze %dma_start3A_430 : memref<1x!tpu.dma_semaphore, #tpu.memory_space<semaphore_mem>> -> memref<!tpu.dma_semaphore, #tpu.memory_space<semaphore_mem>>
      %dma_start3A_432 = arith.constant 0 : i32
      %dma_start3A_433 = tpu.memref_slice %arg4[%add3A_421, %dma_start3A_432] : memref<819200x32xf32, #tpu.memory_space<hbm>> -> memref<400x32xf32, #tpu.memory_space<hbm>>
      %dma_start3A_434 = arith.constant 0 : i32
      %dma_start3A_435 = arith.constant 0 : i32
      %dma_start3A_436 = tpu.memref_slice %arg6[%dma_start3A_422, %dma_start3A_434, %dma_start3A_435] : memref<8x400x32xf32, #tpu.memory_space<vmem>> -> memref<1x400x32xf32, #tpu.memory_space<vmem>>
      %dma_start3A_437 = tpu.memref_squeeze %dma_start3A_436 : memref<1x400x32xf32, #tpu.memory_space<vmem>> -> memref<400x32xf32, #tpu.memory_space<vmem>>
      tpu.enqueue_dma source(%dma_start3A_437 : memref<400x32xf32, #tpu.memory_space<vmem>>) target(%dma_start3A_433 : memref<400x32xf32, #tpu.memory_space<hbm>>) target_semaphore(%dma_start3A_431 : memref<!tpu.dma_semaphore, #tpu.memory_space<semaphore_mem>>)
      %mul3A_438 = arith.constant 4 : i32
      %mul3A_439 = arith.muli %add3A_142, %mul3A_438 : i32
      %add3A_440 = arith.constant 2 : i32
      %add3A_441 = arith.addi %mul3A_439, %add3A_440 : i32
      %mul3A_442 = arith.constant 400 : i32
      %mul3A_443 = arith.muli %add3A_441, %mul3A_442 : i32
      %add3A_444 = arith.addi %mul3A_2, %mul3A_443 : i32
      %dma_start3A_445 = arith.constant 2 : i32
      %dma_start3A_446 = arith.constant 0 : i32
      %dma_start3A_447 = arith.constant 0 : i32
      %dma_start3A_448 = arith.constant 0 : i32
      %dma_start3A_449 = tpu.memref_slice %arg6[%dma_start3A_445, %dma_start3A_447, %dma_start3A_448] : memref<8x400x32xf32, #tpu.memory_space<vmem>> -> memref<1x400x32xf32, #tpu.memory_space<vmem>>
      %dma_start3A_450 = tpu.memref_squeeze %dma_start3A_449 : memref<1x400x32xf32, #tpu.memory_space<vmem>> -> memref<400x32xf32, #tpu.memory_space<vmem>>
      %dma_start3A_451 = arith.constant 0 : i32
      %dma_start3A_452 = tpu.memref_slice %arg4[%add3A_444, %dma_start3A_451] : memref<819200x32xf32, #tpu.memory_space<hbm>> -> memref<400x32xf32, #tpu.memory_space<hbm>>
      %dma_start3A_453 = tpu.memref_slice %arg9[%dma_start3A_446] : memref<2x!tpu.dma_semaphore, #tpu.memory_space<semaphore_mem>> -> memref<1x!tpu.dma_semaphore, #tpu.memory_space<semaphore_mem>>
      %dma_start3A_454 = tpu.memref_squeeze %dma_start3A_453 : memref<1x!tpu.dma_semaphore, #tpu.memory_space<semaphore_mem>> -> memref<!tpu.dma_semaphore, #tpu.memory_space<semaphore_mem>>
      %dma_start3A_455 = arith.constant 0 : i32
      %dma_start3A_456 = tpu.memref_slice %arg4[%add3A_444, %dma_start3A_455] : memref<819200x32xf32, #tpu.memory_space<hbm>> -> memref<400x32xf32, #tpu.memory_space<hbm>>
      %dma_start3A_457 = arith.constant 0 : i32
      %dma_start3A_458 = arith.constant 0 : i32
      %dma_start3A_459 = tpu.memref_slice %arg6[%dma_start3A_445, %dma_start3A_457, %dma_start3A_458] : memref<8x400x32xf32, #tpu.memory_space<vmem>> -> memref<1x400x32xf32, #tpu.memory_space<vmem>>
      %dma_start3A_460 = tpu.memref_squeeze %dma_start3A_459 : memref<1x400x32xf32, #tpu.memory_space<vmem>> -> memref<400x32xf32, #tpu.memory_space<vmem>>
      tpu.enqueue_dma source(%dma_start3A_460 : memref<400x32xf32, #tpu.memory_space<vmem>>) target(%dma_start3A_456 : memref<400x32xf32, #tpu.memory_space<hbm>>) target_semaphore(%dma_start3A_454 : memref<!tpu.dma_semaphore, #tpu.memory_space<semaphore_mem>>)
      %mul3A_461 = arith.constant 4 : i32
      %mul3A_462 = arith.muli %add3A_142, %mul3A_461 : i32
      %add3A_463 = arith.constant 3 : i32
      %add3A_464 = arith.addi %mul3A_462, %add3A_463 : i32
      %mul3A_465 = arith.constant 400 : i32
      %mul3A_466 = arith.muli %add3A_464, %mul3A_465 : i32
      %add3A_467 = arith.addi %mul3A_2, %mul3A_466 : i32
      %dma_start3A_468 = arith.constant 3 : i32
      %dma_start3A_469 = arith.constant 0 : i32
      %dma_start3A_470 = arith.constant 0 : i32
      %dma_start3A_471 = arith.constant 0 : i32
      %dma_start3A_472 = tpu.memref_slice %arg6[%dma_start3A_468, %dma_start3A_470, %dma_start3A_471] : memref<8x400x32xf32, #tpu.memory_space<vmem>> -> memref<1x400x32xf32, #tpu.memory_space<vmem>>
      %dma_start3A_473 = tpu.memref_squeeze %dma_start3A_472 : memref<1x400x32xf32, #tpu.memory_space<vmem>> -> memref<400x32xf32, #tpu.memory_space<vmem>>
      %dma_start3A_474 = arith.constant 0 : i32
      %dma_start3A_475 = tpu.memref_slice %arg4[%add3A_467, %dma_start3A_474] : memref<819200x32xf32, #tpu.memory_space<hbm>> -> memref<400x32xf32, #tpu.memory_space<hbm>>
      %dma_start3A_476 = tpu.memref_slice %arg9[%dma_start3A_469] : memref<2x!tpu.dma_semaphore, #tpu.memory_space<semaphore_mem>> -> memref<1x!tpu.dma_semaphore, #tpu.memory_space<semaphore_mem>>
      %dma_start3A_477 = tpu.memref_squeeze %dma_start3A_476 : memref<1x!tpu.dma_semaphore, #tpu.memory_space<semaphore_mem>> -> memref<!tpu.dma_semaphore, #tpu.memory_space<semaphore_mem>>
      %dma_start3A_478 = arith.constant 0 : i32
      %dma_start3A_479 = tpu.memref_slice %arg4[%add3A_467, %dma_start3A_478] : memref<819200x32xf32, #tpu.memory_space<hbm>> -> memref<400x32xf32, #tpu.memory_space<hbm>>
      %dma_start3A_480 = arith.constant 0 : i32
      %dma_start3A_481 = arith.constant 0 : i32
      %dma_start3A_482 = tpu.memref_slice %arg6[%dma_start3A_468, %dma_start3A_480, %dma_start3A_481] : memref<8x400x32xf32, #tpu.memory_space<vmem>> -> memref<1x400x32xf32, #tpu.memory_space<vmem>>
      %dma_start3A_483 = tpu.memref_squeeze %dma_start3A_482 : memref<1x400x32xf32, #tpu.memory_space<vmem>> -> memref<400x32xf32, #tpu.memory_space<vmem>>
      tpu.enqueue_dma source(%dma_start3A_483 : memref<400x32xf32, #tpu.memory_space<vmem>>) target(%dma_start3A_479 : memref<400x32xf32, #tpu.memory_space<hbm>>) target_semaphore(%dma_start3A_477 : memref<!tpu.dma_semaphore, #tpu.memory_space<semaphore_mem>>)
      %mul3A_484 = arith.constant 2 : i32
      %mul3A_485 = arith.muli %add3A_138, %mul3A_484 : i32
      %add3A_486 = arith.constant 1 : i32
      %add3A_487 = arith.addi %mul3A_485, %add3A_486 : i32
      %mul3A_488 = arith.constant 4 : i32
      %mul3A_489 = arith.muli %add3A_487, %mul3A_488 : i32
      %add3A_490 = arith.constant 0 : i32
      %add3A_491 = arith.addi %mul3A_489, %add3A_490 : i32
      %mul3A_492 = arith.constant 400 : i32
      %mul3A_493 = arith.muli %add3A_491, %mul3A_492 : i32
      %add3A_494 = arith.addi %mul3A_2, %mul3A_493 : i32
      %dma_start3A_495 = arith.constant 4 : i32
      %dma_start3A_496 = arith.constant 1 : i32
      %dma_start3A_497 = arith.constant 0 : i32
      %dma_start3A_498 = tpu.memref_slice %arg5[%dma_start3A_495, %dma_start3A_497] : memref<8x400xi32, #tpu.memory_space<vmem>> -> memref<1x400xi32, #tpu.memory_space<vmem>>
      %dma_start3A_499 = tpu.memref_squeeze %dma_start3A_498 : memref<1x400xi32, #tpu.memory_space<vmem>> -> memref<400xi32, #tpu.memory_space<vmem>>
      %dma_start3A_500 = tpu.memref_slice %arg2[%add3A_494] : memref<819200xi32, #tpu.memory_space<hbm>> -> memref<400xi32, #tpu.memory_space<hbm>>
      %dma_start3A_501 = tpu.memref_slice %arg7[%dma_start3A_496] : memref<2x!tpu.dma_semaphore, #tpu.memory_space<semaphore_mem>> -> memref<1x!tpu.dma_semaphore, #tpu.memory_space<semaphore_mem>>
      %dma_start3A_502 = tpu.memref_squeeze %dma_start3A_501 : memref<1x!tpu.dma_semaphore, #tpu.memory_space<semaphore_mem>> -> memref<!tpu.dma_semaphore, #tpu.memory_space<semaphore_mem>>
      %dma_start3A_503 = arith.constant 0 : i32
      %dma_start3A_504 = tpu.memref_slice %arg5[%dma_start3A_495, %dma_start3A_503] : memref<8x400xi32, #tpu.memory_space<vmem>> -> memref<1x400xi32, #tpu.memory_space<vmem>>
      %dma_start3A_505 = tpu.memref_squeeze %dma_start3A_504 : memref<1x400xi32, #tpu.memory_space<vmem>> -> memref<400xi32, #tpu.memory_space<vmem>>
      %dma_start3A_506 = tpu.memref_slice %arg2[%add3A_494] : memref<819200xi32, #tpu.memory_space<hbm>> -> memref<400xi32, #tpu.memory_space<hbm>>
      tpu.enqueue_dma source(%dma_start3A_506 : memref<400xi32, #tpu.memory_space<hbm>>) target(%dma_start3A_505 : memref<400xi32, #tpu.memory_space<vmem>>) target_semaphore(%dma_start3A_502 : memref<!tpu.dma_semaphore, #tpu.memory_space<semaphore_mem>>)
      %mul3A_507 = arith.constant 4 : i32
      %mul3A_508 = arith.muli %add3A_487, %mul3A_507 : i32
      %add3A_509 = arith.constant 1 : i32
      %add3A_510 = arith.addi %mul3A_508, %add3A_509 : i32
      %mul3A_511 = arith.constant 400 : i32
      %mul3A_512 = arith.muli %add3A_510, %mul3A_511 : i32
      %add3A_513 = arith.addi %mul3A_2, %mul3A_512 : i32
      %dma_start3A_514 = arith.constant 5 : i32
      %dma_start3A_515 = arith.constant 1 : i32
      %dma_start3A_516 = arith.constant 0 : i32
      %dma_start3A_517 = tpu.memref_slice %arg5[%dma_start3A_514, %dma_start3A_516] : memref<8x400xi32, #tpu.memory_space<vmem>> -> memref<1x400xi32, #tpu.memory_space<vmem>>
      %dma_start3A_518 = tpu.memref_squeeze %dma_start3A_517 : memref<1x400xi32, #tpu.memory_space<vmem>> -> memref<400xi32, #tpu.memory_space<vmem>>
      %dma_start3A_519 = tpu.memref_slice %arg2[%add3A_513] : memref<819200xi32, #tpu.memory_space<hbm>> -> memref<400xi32, #tpu.memory_space<hbm>>
      %dma_start3A_520 = tpu.memref_slice %arg7[%dma_start3A_515] : memref<2x!tpu.dma_semaphore, #tpu.memory_space<semaphore_mem>> -> memref<1x!tpu.dma_semaphore, #tpu.memory_space<semaphore_mem>>
      %dma_start3A_521 = tpu.memref_squeeze %dma_start3A_520 : memref<1x!tpu.dma_semaphore, #tpu.memory_space<semaphore_mem>> -> memref<!tpu.dma_semaphore, #tpu.memory_space<semaphore_mem>>
      %dma_start3A_522 = arith.constant 0 : i32
      %dma_start3A_523 = tpu.memref_slice %arg5[%dma_start3A_514, %dma_start3A_522] : memref<8x400xi32, #tpu.memory_space<vmem>> -> memref<1x400xi32, #tpu.memory_space<vmem>>
      %dma_start3A_524 = tpu.memref_squeeze %dma_start3A_523 : memref<1x400xi32, #tpu.memory_space<vmem>> -> memref<400xi32, #tpu.memory_space<vmem>>
      %dma_start3A_525 = tpu.memref_slice %arg2[%add3A_513] : memref<819200xi32, #tpu.memory_space<hbm>> -> memref<400xi32, #tpu.memory_space<hbm>>
      tpu.enqueue_dma source(%dma_start3A_525 : memref<400xi32, #tpu.memory_space<hbm>>) target(%dma_start3A_524 : memref<400xi32, #tpu.memory_space<vmem>>) target_semaphore(%dma_start3A_521 : memref<!tpu.dma_semaphore, #tpu.memory_space<semaphore_mem>>)
      %mul3A_526 = arith.constant 4 : i32
      %mul3A_527 = arith.muli %add3A_487, %mul3A_526 : i32
      %add3A_528 = arith.constant 2 : i32
      %add3A_529 = arith.addi %mul3A_527, %add3A_528 : i32
      %mul3A_530 = arith.constant 400 : i32
      %mul3A_531 = arith.muli %add3A_529, %mul3A_530 : i32
      %add3A_532 = arith.addi %mul3A_2, %mul3A_531 : i32
      %dma_start3A_533 = arith.constant 6 : i32
      %dma_start3A_534 = arith.constant 1 : i32
      %dma_start3A_535 = arith.constant 0 : i32
      %dma_start3A_536 = tpu.memref_slice %arg5[%dma_start3A_533, %dma_start3A_535] : memref<8x400xi32, #tpu.memory_space<vmem>> -> memref<1x400xi32, #tpu.memory_space<vmem>>
      %dma_start3A_537 = tpu.memref_squeeze %dma_start3A_536 : memref<1x400xi32, #tpu.memory_space<vmem>> -> memref<400xi32, #tpu.memory_space<vmem>>
      %dma_start3A_538 = tpu.memref_slice %arg2[%add3A_532] : memref<819200xi32, #tpu.memory_space<hbm>> -> memref<400xi32, #tpu.memory_space<hbm>>
      %dma_start3A_539 = tpu.memref_slice %arg7[%dma_start3A_534] : memref<2x!tpu.dma_semaphore, #tpu.memory_space<semaphore_mem>> -> memref<1x!tpu.dma_semaphore, #tpu.memory_space<semaphore_mem>>
      %dma_start3A_540 = tpu.memref_squeeze %dma_start3A_539 : memref<1x!tpu.dma_semaphore, #tpu.memory_space<semaphore_mem>> -> memref<!tpu.dma_semaphore, #tpu.memory_space<semaphore_mem>>
      %dma_start3A_541 = arith.constant 0 : i32
      %dma_start3A_542 = tpu.memref_slice %arg5[%dma_start3A_533, %dma_start3A_541] : memref<8x400xi32, #tpu.memory_space<vmem>> -> memref<1x400xi32, #tpu.memory_space<vmem>>
      %dma_start3A_543 = tpu.memref_squeeze %dma_start3A_542 : memref<1x400xi32, #tpu.memory_space<vmem>> -> memref<400xi32, #tpu.memory_space<vmem>>
      %dma_start3A_544 = tpu.memref_slice %arg2[%add3A_532] : memref<819200xi32, #tpu.memory_space<hbm>> -> memref<400xi32, #tpu.memory_space<hbm>>
      tpu.enqueue_dma source(%dma_start3A_544 : memref<400xi32, #tpu.memory_space<hbm>>) target(%dma_start3A_543 : memref<400xi32, #tpu.memory_space<vmem>>) target_semaphore(%dma_start3A_540 : memref<!tpu.dma_semaphore, #tpu.memory_space<semaphore_mem>>)
      %mul3A_545 = arith.constant 4 : i32
      %mul3A_546 = arith.muli %add3A_487, %mul3A_545 : i32
      %add3A_547 = arith.constant 3 : i32
      %add3A_548 = arith.addi %mul3A_546, %add3A_547 : i32
      %mul3A_549 = arith.constant 400 : i32
      %mul3A_550 = arith.muli %add3A_548, %mul3A_549 : i32
      %add3A_551 = arith.addi %mul3A_2, %mul3A_550 : i32
      %dma_start3A_552 = arith.constant 7 : i32
      %dma_start3A_553 = arith.constant 1 : i32
      %dma_start3A_554 = arith.constant 0 : i32
      %dma_start3A_555 = tpu.memref_slice %arg5[%dma_start3A_552, %dma_start3A_554] : memref<8x400xi32, #tpu.memory_space<vmem>> -> memref<1x400xi32, #tpu.memory_space<vmem>>
      %dma_start3A_556 = tpu.memref_squeeze %dma_start3A_555 : memref<1x400xi32, #tpu.memory_space<vmem>> -> memref<400xi32, #tpu.memory_space<vmem>>
      %dma_start3A_557 = tpu.memref_slice %arg2[%add3A_551] : memref<819200xi32, #tpu.memory_space<hbm>> -> memref<400xi32, #tpu.memory_space<hbm>>
      %dma_start3A_558 = tpu.memref_slice %arg7[%dma_start3A_553] : memref<2x!tpu.dma_semaphore, #tpu.memory_space<semaphore_mem>> -> memref<1x!tpu.dma_semaphore, #tpu.memory_space<semaphore_mem>>
      %dma_start3A_559 = tpu.memref_squeeze %dma_start3A_558 : memref<1x!tpu.dma_semaphore, #tpu.memory_space<semaphore_mem>> -> memref<!tpu.dma_semaphore, #tpu.memory_space<semaphore_mem>>
      %dma_start3A_560 = arith.constant 0 : i32
      %dma_start3A_561 = tpu.memref_slice %arg5[%dma_start3A_552, %dma_start3A_560] : memref<8x400xi32, #tpu.memory_space<vmem>> -> memref<1x400xi32, #tpu.memory_space<vmem>>
      %dma_start3A_562 = tpu.memref_squeeze %dma_start3A_561 : memref<1x400xi32, #tpu.memory_space<vmem>> -> memref<400xi32, #tpu.memory_space<vmem>>
      %dma_start3A_563 = tpu.memref_slice %arg2[%add3A_551] : memref<819200xi32, #tpu.memory_space<hbm>> -> memref<400xi32, #tpu.memory_space<hbm>>
      tpu.enqueue_dma source(%dma_start3A_563 : memref<400xi32, #tpu.memory_space<hbm>>) target(%dma_start3A_562 : memref<400xi32, #tpu.memory_space<vmem>>) target_semaphore(%dma_start3A_559 : memref<!tpu.dma_semaphore, #tpu.memory_space<semaphore_mem>>)
      %gt3A_564 = arith.constant 0 : i32
      %gt3A_565 = arith.cmpi sgt, %add3A_138, %gt3A_564 : i32
      %convert_element_type3A_566 = arith.extui %gt3A_565 : i1 to i32
      %cond3A_567 = arith.constant 0 : i32
      %cond3A_568 = arith.cmpi ne, %convert_element_type3A_566, %cond3A_567 : i32
      scf.if %cond3A_568 {
        %dma_wait3A_833 = arith.constant 4 : i32
        %dma_wait3A_834 = arith.constant 1 : i32
        %dma_wait3A_835 = arith.constant 0 : i32
        %dma_wait3A_836 = arith.constant 0 : i32
        %dma_wait3A_837 = tpu.memref_slice %arg6[%dma_wait3A_833, %dma_wait3A_835, %dma_wait3A_836] : memref<8x400x32xf32, #tpu.memory_space<vmem>> -> memref<1x400x32xf32, #tpu.memory_space<vmem>>
        %dma_wait3A_838 = tpu.memref_squeeze %dma_wait3A_837 : memref<1x400x32xf32, #tpu.memory_space<vmem>> -> memref<400x32xf32, #tpu.memory_space<vmem>>
        %dma_wait3A_839 = arith.constant 0 : i32
        %dma_wait3A_840 = tpu.memref_slice %arg4[%mul3A_2, %dma_wait3A_839] : memref<819200x32xf32, #tpu.memory_space<hbm>> -> memref<400x32xf32, #tpu.memory_space<hbm>>
        %dma_wait3A_841 = tpu.memref_slice %arg9[%dma_wait3A_834] : memref<2x!tpu.dma_semaphore, #tpu.memory_space<semaphore_mem>> -> memref<1x!tpu.dma_semaphore, #tpu.memory_space<semaphore_mem>>
        %dma_wait3A_842 = tpu.memref_squeeze %dma_wait3A_841 : memref<1x!tpu.dma_semaphore, #tpu.memory_space<semaphore_mem>> -> memref<!tpu.dma_semaphore, #tpu.memory_space<semaphore_mem>>
        %dma_wait3A_843 = arith.constant 0 : i32
        %dma_wait3A_844 = tpu.memref_slice %arg4[%mul3A_2, %dma_wait3A_843] : memref<819200x32xf32, #tpu.memory_space<hbm>> -> memref<400x32xf32, #tpu.memory_space<hbm>>
        %dma_wait3A_845 = arith.constant 0 : i32
        %dma_wait3A_846 = arith.constant 0 : i32
        %dma_wait3A_847 = tpu.memref_slice %arg6[%dma_wait3A_833, %dma_wait3A_845, %dma_wait3A_846] : memref<8x400x32xf32, #tpu.memory_space<vmem>> -> memref<1x400x32xf32, #tpu.memory_space<vmem>>
        %dma_wait3A_848 = tpu.memref_squeeze %dma_wait3A_847 : memref<1x400x32xf32, #tpu.memory_space<vmem>> -> memref<400x32xf32, #tpu.memory_space<vmem>>
        tpu.wait_dma2 semaphore(%dma_wait3A_842 : memref<!tpu.dma_semaphore, #tpu.memory_space<semaphore_mem>>) src(%dma_wait3A_848 : memref<400x32xf32, #tpu.memory_space<vmem>>) dst(%dma_wait3A_844 : memref<400x32xf32, #tpu.memory_space<hbm>>)
        %dma_wait3A_849 = arith.constant 5 : i32
        %dma_wait3A_850 = arith.constant 1 : i32
        %dma_wait3A_851 = arith.constant 0 : i32
        %dma_wait3A_852 = arith.constant 0 : i32
        %dma_wait3A_853 = tpu.memref_slice %arg6[%dma_wait3A_849, %dma_wait3A_851, %dma_wait3A_852] : memref<8x400x32xf32, #tpu.memory_space<vmem>> -> memref<1x400x32xf32, #tpu.memory_space<vmem>>
        %dma_wait3A_854 = tpu.memref_squeeze %dma_wait3A_853 : memref<1x400x32xf32, #tpu.memory_space<vmem>> -> memref<400x32xf32, #tpu.memory_space<vmem>>
        %dma_wait3A_855 = arith.constant 0 : i32
        %dma_wait3A_856 = tpu.memref_slice %arg4[%mul3A_2, %dma_wait3A_855] : memref<819200x32xf32, #tpu.memory_space<hbm>> -> memref<400x32xf32, #tpu.memory_space<hbm>>
        %dma_wait3A_857 = tpu.memref_slice %arg9[%dma_wait3A_850] : memref<2x!tpu.dma_semaphore, #tpu.memory_space<semaphore_mem>> -> memref<1x!tpu.dma_semaphore, #tpu.memory_space<semaphore_mem>>
        %dma_wait3A_858 = tpu.memref_squeeze %dma_wait3A_857 : memref<1x!tpu.dma_semaphore, #tpu.memory_space<semaphore_mem>> -> memref<!tpu.dma_semaphore, #tpu.memory_space<semaphore_mem>>
        %dma_wait3A_859 = arith.constant 0 : i32
        %dma_wait3A_860 = tpu.memref_slice %arg4[%mul3A_2, %dma_wait3A_859] : memref<819200x32xf32, #tpu.memory_space<hbm>> -> memref<400x32xf32, #tpu.memory_space<hbm>>
        %dma_wait3A_861 = arith.constant 0 : i32
        %dma_wait3A_862 = arith.constant 0 : i32
        %dma_wait3A_863 = tpu.memref_slice %arg6[%dma_wait3A_849, %dma_wait3A_861, %dma_wait3A_862] : memref<8x400x32xf32, #tpu.memory_space<vmem>> -> memref<1x400x32xf32, #tpu.memory_space<vmem>>
        %dma_wait3A_864 = tpu.memref_squeeze %dma_wait3A_863 : memref<1x400x32xf32, #tpu.memory_space<vmem>> -> memref<400x32xf32, #tpu.memory_space<vmem>>
        tpu.wait_dma2 semaphore(%dma_wait3A_858 : memref<!tpu.dma_semaphore, #tpu.memory_space<semaphore_mem>>) src(%dma_wait3A_864 : memref<400x32xf32, #tpu.memory_space<vmem>>) dst(%dma_wait3A_860 : memref<400x32xf32, #tpu.memory_space<hbm>>)
        %dma_wait3A_865 = arith.constant 6 : i32
        %dma_wait3A_866 = arith.constant 1 : i32
        %dma_wait3A_867 = arith.constant 0 : i32
        %dma_wait3A_868 = arith.constant 0 : i32
        %dma_wait3A_869 = tpu.memref_slice %arg6[%dma_wait3A_865, %dma_wait3A_867, %dma_wait3A_868] : memref<8x400x32xf32, #tpu.memory_space<vmem>> -> memref<1x400x32xf32, #tpu.memory_space<vmem>>
        %dma_wait3A_870 = tpu.memref_squeeze %dma_wait3A_869 : memref<1x400x32xf32, #tpu.memory_space<vmem>> -> memref<400x32xf32, #tpu.memory_space<vmem>>
        %dma_wait3A_871 = arith.constant 0 : i32
        %dma_wait3A_872 = tpu.memref_slice %arg4[%mul3A_2, %dma_wait3A_871] : memref<819200x32xf32, #tpu.memory_space<hbm>> -> memref<400x32xf32, #tpu.memory_space<hbm>>
        %dma_wait3A_873 = tpu.memref_slice %arg9[%dma_wait3A_866] : memref<2x!tpu.dma_semaphore, #tpu.memory_space<semaphore_mem>> -> memref<1x!tpu.dma_semaphore, #tpu.memory_space<semaphore_mem>>
        %dma_wait3A_874 = tpu.memref_squeeze %dma_wait3A_873 : memref<1x!tpu.dma_semaphore, #tpu.memory_space<semaphore_mem>> -> memref<!tpu.dma_semaphore, #tpu.memory_space<semaphore_mem>>
        %dma_wait3A_875 = arith.constant 0 : i32
        %dma_wait3A_876 = tpu.memref_slice %arg4[%mul3A_2, %dma_wait3A_875] : memref<819200x32xf32, #tpu.memory_space<hbm>> -> memref<400x32xf32, #tpu.memory_space<hbm>>
        %dma_wait3A_877 = arith.constant 0 : i32
        %dma_wait3A_878 = arith.constant 0 : i32
        %dma_wait3A_879 = tpu.memref_slice %arg6[%dma_wait3A_865, %dma_wait3A_877, %dma_wait3A_878] : memref<8x400x32xf32, #tpu.memory_space<vmem>> -> memref<1x400x32xf32, #tpu.memory_space<vmem>>
        %dma_wait3A_880 = tpu.memref_squeeze %dma_wait3A_879 : memref<1x400x32xf32, #tpu.memory_space<vmem>> -> memref<400x32xf32, #tpu.memory_space<vmem>>
        tpu.wait_dma2 semaphore(%dma_wait3A_874 : memref<!tpu.dma_semaphore, #tpu.memory_space<semaphore_mem>>) src(%dma_wait3A_880 : memref<400x32xf32, #tpu.memory_space<vmem>>) dst(%dma_wait3A_876 : memref<400x32xf32, #tpu.memory_space<hbm>>)
        %dma_wait3A_881 = arith.constant 7 : i32
        %dma_wait3A_882 = arith.constant 1 : i32
        %dma_wait3A_883 = arith.constant 0 : i32
        %dma_wait3A_884 = arith.constant 0 : i32
        %dma_wait3A_885 = tpu.memref_slice %arg6[%dma_wait3A_881, %dma_wait3A_883, %dma_wait3A_884] : memref<8x400x32xf32, #tpu.memory_space<vmem>> -> memref<1x400x32xf32, #tpu.memory_space<vmem>>
        %dma_wait3A_886 = tpu.memref_squeeze %dma_wait3A_885 : memref<1x400x32xf32, #tpu.memory_space<vmem>> -> memref<400x32xf32, #tpu.memory_space<vmem>>
        %dma_wait3A_887 = arith.constant 0 : i32
        %dma_wait3A_888 = tpu.memref_slice %arg4[%mul3A_2, %dma_wait3A_887] : memref<819200x32xf32, #tpu.memory_space<hbm>> -> memref<400x32xf32, #tpu.memory_space<hbm>>
        %dma_wait3A_889 = tpu.memref_slice %arg9[%dma_wait3A_882] : memref<2x!tpu.dma_semaphore, #tpu.memory_space<semaphore_mem>> -> memref<1x!tpu.dma_semaphore, #tpu.memory_space<semaphore_mem>>
        %dma_wait3A_890 = tpu.memref_squeeze %dma_wait3A_889 : memref<1x!tpu.dma_semaphore, #tpu.memory_space<semaphore_mem>> -> memref<!tpu.dma_semaphore, #tpu.memory_space<semaphore_mem>>
        %dma_wait3A_891 = arith.constant 0 : i32
        %dma_wait3A_892 = tpu.memref_slice %arg4[%mul3A_2, %dma_wait3A_891] : memref<819200x32xf32, #tpu.memory_space<hbm>> -> memref<400x32xf32, #tpu.memory_space<hbm>>
        %dma_wait3A_893 = arith.constant 0 : i32
        %dma_wait3A_894 = arith.constant 0 : i32
        %dma_wait3A_895 = tpu.memref_slice %arg6[%dma_wait3A_881, %dma_wait3A_893, %dma_wait3A_894] : memref<8x400x32xf32, #tpu.memory_space<vmem>> -> memref<1x400x32xf32, #tpu.memory_space<vmem>>
        %dma_wait3A_896 = tpu.memref_squeeze %dma_wait3A_895 : memref<1x400x32xf32, #tpu.memory_space<vmem>> -> memref<400x32xf32, #tpu.memory_space<vmem>>
        tpu.wait_dma2 semaphore(%dma_wait3A_890 : memref<!tpu.dma_semaphore, #tpu.memory_space<semaphore_mem>>) src(%dma_wait3A_896 : memref<400x32xf32, #tpu.memory_space<vmem>>) dst(%dma_wait3A_892 : memref<400x32xf32, #tpu.memory_space<hbm>>)
      } else {
      }
      %mul3A_569 = arith.constant 4 : i32
      %mul3A_570 = arith.muli %add3A_487, %mul3A_569 : i32
      %add3A_571 = arith.constant 0 : i32
      %add3A_572 = arith.addi %mul3A_570, %add3A_571 : i32
      %mul3A_573 = arith.constant 400 : i32
      %mul3A_574 = arith.muli %add3A_572, %mul3A_573 : i32
      %add3A_575 = arith.addi %mul3A_2, %mul3A_574 : i32
      %dma_wait3A_576 = arith.constant 4 : i32
      %dma_wait3A_577 = arith.constant 1 : i32
      %dma_wait3A_578 = arith.constant 0 : i32
      %dma_wait3A_579 = tpu.memref_slice %arg5[%dma_wait3A_576, %dma_wait3A_578] : memref<8x400xi32, #tpu.memory_space<vmem>> -> memref<1x400xi32, #tpu.memory_space<vmem>>
      %dma_wait3A_580 = tpu.memref_squeeze %dma_wait3A_579 : memref<1x400xi32, #tpu.memory_space<vmem>> -> memref<400xi32, #tpu.memory_space<vmem>>
      %dma_wait3A_581 = tpu.memref_slice %arg2[%add3A_575] : memref<819200xi32, #tpu.memory_space<hbm>> -> memref<400xi32, #tpu.memory_space<hbm>>
      %dma_wait3A_582 = tpu.memref_slice %arg7[%dma_wait3A_577] : memref<2x!tpu.dma_semaphore, #tpu.memory_space<semaphore_mem>> -> memref<1x!tpu.dma_semaphore, #tpu.memory_space<semaphore_mem>>
      %dma_wait3A_583 = tpu.memref_squeeze %dma_wait3A_582 : memref<1x!tpu.dma_semaphore, #tpu.memory_space<semaphore_mem>> -> memref<!tpu.dma_semaphore, #tpu.memory_space<semaphore_mem>>
      %dma_wait3A_584 = arith.constant 0 : i32
      %dma_wait3A_585 = tpu.memref_slice %arg5[%dma_wait3A_576, %dma_wait3A_584] : memref<8x400xi32, #tpu.memory_space<vmem>> -> memref<1x400xi32, #tpu.memory_space<vmem>>
      %dma_wait3A_586 = tpu.memref_squeeze %dma_wait3A_585 : memref<1x400xi32, #tpu.memory_space<vmem>> -> memref<400xi32, #tpu.memory_space<vmem>>
      %dma_wait3A_587 = tpu.memref_slice %arg2[%add3A_575] : memref<819200xi32, #tpu.memory_space<hbm>> -> memref<400xi32, #tpu.memory_space<hbm>>
      tpu.wait_dma2 semaphore(%dma_wait3A_583 : memref<!tpu.dma_semaphore, #tpu.memory_space<semaphore_mem>>) src(%dma_wait3A_587 : memref<400xi32, #tpu.memory_space<hbm>>) dst(%dma_wait3A_586 : memref<400xi32, #tpu.memory_space<vmem>>)
      %mul3A_588 = arith.constant 4 : i32
      %mul3A_589 = arith.muli %add3A_487, %mul3A_588 : i32
      %add3A_590 = arith.constant 1 : i32
      %add3A_591 = arith.addi %mul3A_589, %add3A_590 : i32
      %mul3A_592 = arith.constant 400 : i32
      %mul3A_593 = arith.muli %add3A_591, %mul3A_592 : i32
      %add3A_594 = arith.addi %mul3A_2, %mul3A_593 : i32
      %dma_wait3A_595 = arith.constant 5 : i32
      %dma_wait3A_596 = arith.constant 1 : i32
      %dma_wait3A_597 = arith.constant 0 : i32
      %dma_wait3A_598 = tpu.memref_slice %arg5[%dma_wait3A_595, %dma_wait3A_597] : memref<8x400xi32, #tpu.memory_space<vmem>> -> memref<1x400xi32, #tpu.memory_space<vmem>>
      %dma_wait3A_599 = tpu.memref_squeeze %dma_wait3A_598 : memref<1x400xi32, #tpu.memory_space<vmem>> -> memref<400xi32, #tpu.memory_space<vmem>>
      %dma_wait3A_600 = tpu.memref_slice %arg2[%add3A_594] : memref<819200xi32, #tpu.memory_space<hbm>> -> memref<400xi32, #tpu.memory_space<hbm>>
      %dma_wait3A_601 = tpu.memref_slice %arg7[%dma_wait3A_596] : memref<2x!tpu.dma_semaphore, #tpu.memory_space<semaphore_mem>> -> memref<1x!tpu.dma_semaphore, #tpu.memory_space<semaphore_mem>>
      %dma_wait3A_602 = tpu.memref_squeeze %dma_wait3A_601 : memref<1x!tpu.dma_semaphore, #tpu.memory_space<semaphore_mem>> -> memref<!tpu.dma_semaphore, #tpu.memory_space<semaphore_mem>>
      %dma_wait3A_603 = arith.constant 0 : i32
      %dma_wait3A_604 = tpu.memref_slice %arg5[%dma_wait3A_595, %dma_wait3A_603] : memref<8x400xi32, #tpu.memory_space<vmem>> -> memref<1x400xi32, #tpu.memory_space<vmem>>
      %dma_wait3A_605 = tpu.memref_squeeze %dma_wait3A_604 : memref<1x400xi32, #tpu.memory_space<vmem>> -> memref<400xi32, #tpu.memory_space<vmem>>
      %dma_wait3A_606 = tpu.memref_slice %arg2[%add3A_594] : memref<819200xi32, #tpu.memory_space<hbm>> -> memref<400xi32, #tpu.memory_space<hbm>>
      tpu.wait_dma2 semaphore(%dma_wait3A_602 : memref<!tpu.dma_semaphore, #tpu.memory_space<semaphore_mem>>) src(%dma_wait3A_606 : memref<400xi32, #tpu.memory_space<hbm>>) dst(%dma_wait3A_605 : memref<400xi32, #tpu.memory_space<vmem>>)
      %mul3A_607 = arith.constant 4 : i32
      %mul3A_608 = arith.muli %add3A_487, %mul3A_607 : i32
      %add3A_609 = arith.constant 2 : i32
      %add3A_610 = arith.addi %mul3A_608, %add3A_609 : i32
      %mul3A_611 = arith.constant 400 : i32
      %mul3A_612 = arith.muli %add3A_610, %mul3A_611 : i32
      %add3A_613 = arith.addi %mul3A_2, %mul3A_612 : i32
      %dma_wait3A_614 = arith.constant 6 : i32
      %dma_wait3A_615 = arith.constant 1 : i32
      %dma_wait3A_616 = arith.constant 0 : i32
      %dma_wait3A_617 = tpu.memref_slice %arg5[%dma_wait3A_614, %dma_wait3A_616] : memref<8x400xi32, #tpu.memory_space<vmem>> -> memref<1x400xi32, #tpu.memory_space<vmem>>
      %dma_wait3A_618 = tpu.memref_squeeze %dma_wait3A_617 : memref<1x400xi32, #tpu.memory_space<vmem>> -> memref<400xi32, #tpu.memory_space<vmem>>
      %dma_wait3A_619 = tpu.memref_slice %arg2[%add3A_613] : memref<819200xi32, #tpu.memory_space<hbm>> -> memref<400xi32, #tpu.memory_space<hbm>>
      %dma_wait3A_620 = tpu.memref_slice %arg7[%dma_wait3A_615] : memref<2x!tpu.dma_semaphore, #tpu.memory_space<semaphore_mem>> -> memref<1x!tpu.dma_semaphore, #tpu.memory_space<semaphore_mem>>
      %dma_wait3A_621 = tpu.memref_squeeze %dma_wait3A_620 : memref<1x!tpu.dma_semaphore, #tpu.memory_space<semaphore_mem>> -> memref<!tpu.dma_semaphore, #tpu.memory_space<semaphore_mem>>
      %dma_wait3A_622 = arith.constant 0 : i32
      %dma_wait3A_623 = tpu.memref_slice %arg5[%dma_wait3A_614, %dma_wait3A_622] : memref<8x400xi32, #tpu.memory_space<vmem>> -> memref<1x400xi32, #tpu.memory_space<vmem>>
      %dma_wait3A_624 = tpu.memref_squeeze %dma_wait3A_623 : memref<1x400xi32, #tpu.memory_space<vmem>> -> memref<400xi32, #tpu.memory_space<vmem>>
      %dma_wait3A_625 = tpu.memref_slice %arg2[%add3A_613] : memref<819200xi32, #tpu.memory_space<hbm>> -> memref<400xi32, #tpu.memory_space<hbm>>
      tpu.wait_dma2 semaphore(%dma_wait3A_621 : memref<!tpu.dma_semaphore, #tpu.memory_space<semaphore_mem>>) src(%dma_wait3A_625 : memref<400xi32, #tpu.memory_space<hbm>>) dst(%dma_wait3A_624 : memref<400xi32, #tpu.memory_space<vmem>>)
      %mul3A_626 = arith.constant 4 : i32
      %mul3A_627 = arith.muli %add3A_487, %mul3A_626 : i32
      %add3A_628 = arith.constant 3 : i32
      %add3A_629 = arith.addi %mul3A_627, %add3A_628 : i32
      %mul3A_630 = arith.constant 400 : i32
      %mul3A_631 = arith.muli %add3A_629, %mul3A_630 : i32
      %add3A_632 = arith.addi %mul3A_2, %mul3A_631 : i32
      %dma_wait3A_633 = arith.constant 7 : i32
      %dma_wait3A_634 = arith.constant 1 : i32
      %dma_wait3A_635 = arith.constant 0 : i32
      %dma_wait3A_636 = tpu.memref_slice %arg5[%dma_wait3A_633, %dma_wait3A_635] : memref<8x400xi32, #tpu.memory_space<vmem>> -> memref<1x400xi32, #tpu.memory_space<vmem>>
      %dma_wait3A_637 = tpu.memref_squeeze %dma_wait3A_636 : memref<1x400xi32, #tpu.memory_space<vmem>> -> memref<400xi32, #tpu.memory_space<vmem>>
      %dma_wait3A_638 = tpu.memref_slice %arg2[%add3A_632] : memref<819200xi32, #tpu.memory_space<hbm>> -> memref<400xi32, #tpu.memory_space<hbm>>
      %dma_wait3A_639 = tpu.memref_slice %arg7[%dma_wait3A_634] : memref<2x!tpu.dma_semaphore, #tpu.memory_space<semaphore_mem>> -> memref<1x!tpu.dma_semaphore, #tpu.memory_space<semaphore_mem>>
      %dma_wait3A_640 = tpu.memref_squeeze %dma_wait3A_639 : memref<1x!tpu.dma_semaphore, #tpu.memory_space<semaphore_mem>> -> memref<!tpu.dma_semaphore, #tpu.memory_space<semaphore_mem>>
      %dma_wait3A_641 = arith.constant 0 : i32
      %dma_wait3A_642 = tpu.memref_slice %arg5[%dma_wait3A_633, %dma_wait3A_641] : memref<8x400xi32, #tpu.memory_space<vmem>> -> memref<1x400xi32, #tpu.memory_space<vmem>>
      %dma_wait3A_643 = tpu.memref_squeeze %dma_wait3A_642 : memref<1x400xi32, #tpu.memory_space<vmem>> -> memref<400xi32, #tpu.memory_space<vmem>>
      %dma_wait3A_644 = tpu.memref_slice %arg2[%add3A_632] : memref<819200xi32, #tpu.memory_space<hbm>> -> memref<400xi32, #tpu.memory_space<hbm>>
      tpu.wait_dma2 semaphore(%dma_wait3A_640 : memref<!tpu.dma_semaphore, #tpu.memory_space<semaphore_mem>>) src(%dma_wait3A_644 : memref<400xi32, #tpu.memory_space<hbm>>) dst(%dma_wait3A_643 : memref<400xi32, #tpu.memory_space<vmem>>)
      %dma_start3A_645 = arith.constant 4 : i32
      %dma_start3A_646 = arith.constant 4 : i32
      %dma_start3A_647 = arith.constant 0 : i32
      %dma_start3A_648 = arith.constant 0 : i32
      %dma_start3A_649 = tpu.memref_slice %arg6[%dma_start3A_646, %dma_start3A_647, %dma_start3A_648] : memref<8x400x32xf32, #tpu.memory_space<vmem>> -> memref<1x400x32xf32, #tpu.memory_space<vmem>>
      %dma_start3A_650 = tpu.memref_squeeze %dma_start3A_649 : memref<1x400x32xf32, #tpu.memory_space<vmem>> -> memref<400x32xf32, #tpu.memory_space<vmem>>
      %dma_start3A_651 = arith.constant 0 : i32
      %dma_start3A_652 = tpu.memref_slice %arg5[%dma_start3A_645, %dma_start3A_651] : memref<8x400xi32, #tpu.memory_space<vmem>> -> memref<1x400xi32, #tpu.memory_space<vmem>>
      %dma_start3A_653 = tpu.memref_squeeze %dma_start3A_652 : memref<1x400xi32, #tpu.memory_space<vmem>> -> memref<400xi32, #tpu.memory_space<vmem>>
      %dma_start3A_654 = arith.constant 0 : i32
      %dma_start3A_655 = arith.constant 0 : i32
      %dma_start3A_656 = tpu.memref_slice %arg3[%dma_start3A_654, %dma_start3A_655] : memref<1000000x32xf32, #tpu.memory_space<hbm>> -> memref<1000000x32xf32, #tpu.memory_space<hbm>>
      tpu.enqueue_indirect_dma source(%dma_start3A_656 : memref<1000000x32xf32, #tpu.memory_space<hbm>>) target(%dma_start3A_650 : memref<400x32xf32, #tpu.memory_space<vmem>>) offsets(%dma_start3A_653 : memref<400xi32, #tpu.memory_space<vmem>>) semaphore(%arg8 : memref<!tpu.dma_semaphore, #tpu.memory_space<semaphore_mem>>)
      %dma_start3A_657 = arith.constant 5 : i32
      %dma_start3A_658 = arith.constant 5 : i32
      %dma_start3A_659 = arith.constant 0 : i32
      %dma_start3A_660 = arith.constant 0 : i32
      %dma_start3A_661 = tpu.memref_slice %arg6[%dma_start3A_658, %dma_start3A_659, %dma_start3A_660] : memref<8x400x32xf32, #tpu.memory_space<vmem>> -> memref<1x400x32xf32, #tpu.memory_space<vmem>>
      %dma_start3A_662 = tpu.memref_squeeze %dma_start3A_661 : memref<1x400x32xf32, #tpu.memory_space<vmem>> -> memref<400x32xf32, #tpu.memory_space<vmem>>
      %dma_start3A_663 = arith.constant 0 : i32
      %dma_start3A_664 = tpu.memref_slice %arg5[%dma_start3A_657, %dma_start3A_663] : memref<8x400xi32, #tpu.memory_space<vmem>> -> memref<1x400xi32, #tpu.memory_space<vmem>>
      %dma_start3A_665 = tpu.memref_squeeze %dma_start3A_664 : memref<1x400xi32, #tpu.memory_space<vmem>> -> memref<400xi32, #tpu.memory_space<vmem>>
      %dma_start3A_666 = arith.constant 0 : i32
      %dma_start3A_667 = arith.constant 0 : i32
      %dma_start3A_668 = tpu.memref_slice %arg3[%dma_start3A_666, %dma_start3A_667] : memref<1000000x32xf32, #tpu.memory_space<hbm>> -> memref<1000000x32xf32, #tpu.memory_space<hbm>>
      tpu.enqueue_indirect_dma source(%dma_start3A_668 : memref<1000000x32xf32, #tpu.memory_space<hbm>>) target(%dma_start3A_662 : memref<400x32xf32, #tpu.memory_space<vmem>>) offsets(%dma_start3A_665 : memref<400xi32, #tpu.memory_space<vmem>>) semaphore(%arg8 : memref<!tpu.dma_semaphore, #tpu.memory_space<semaphore_mem>>)
      %dma_start3A_669 = arith.constant 6 : i32
      %dma_start3A_670 = arith.constant 6 : i32
      %dma_start3A_671 = arith.constant 0 : i32
      %dma_start3A_672 = arith.constant 0 : i32
      %dma_start3A_673 = tpu.memref_slice %arg6[%dma_start3A_670, %dma_start3A_671, %dma_start3A_672] : memref<8x400x32xf32, #tpu.memory_space<vmem>> -> memref<1x400x32xf32, #tpu.memory_space<vmem>>
      %dma_start3A_674 = tpu.memref_squeeze %dma_start3A_673 : memref<1x400x32xf32, #tpu.memory_space<vmem>> -> memref<400x32xf32, #tpu.memory_space<vmem>>
      %dma_start3A_675 = arith.constant 0 : i32
      %dma_start3A_676 = tpu.memref_slice %arg5[%dma_start3A_669, %dma_start3A_675] : memref<8x400xi32, #tpu.memory_space<vmem>> -> memref<1x400xi32, #tpu.memory_space<vmem>>
      %dma_start3A_677 = tpu.memref_squeeze %dma_start3A_676 : memref<1x400xi32, #tpu.memory_space<vmem>> -> memref<400xi32, #tpu.memory_space<vmem>>
      %dma_start3A_678 = arith.constant 0 : i32
      %dma_start3A_679 = arith.constant 0 : i32
      %dma_start3A_680 = tpu.memref_slice %arg3[%dma_start3A_678, %dma_start3A_679] : memref<1000000x32xf32, #tpu.memory_space<hbm>> -> memref<1000000x32xf32, #tpu.memory_space<hbm>>
      tpu.enqueue_indirect_dma source(%dma_start3A_680 : memref<1000000x32xf32, #tpu.memory_space<hbm>>) target(%dma_start3A_674 : memref<400x32xf32, #tpu.memory_space<vmem>>) offsets(%dma_start3A_677 : memref<400xi32, #tpu.memory_space<vmem>>) semaphore(%arg8 : memref<!tpu.dma_semaphore, #tpu.memory_space<semaphore_mem>>)
      %dma_start3A_681 = arith.constant 7 : i32
      %dma_start3A_682 = arith.constant 7 : i32
      %dma_start3A_683 = arith.constant 0 : i32
      %dma_start3A_684 = arith.constant 0 : i32
      %dma_start3A_685 = tpu.memref_slice %arg6[%dma_start3A_682, %dma_start3A_683, %dma_start3A_684] : memref<8x400x32xf32, #tpu.memory_space<vmem>> -> memref<1x400x32xf32, #tpu.memory_space<vmem>>
      %dma_start3A_686 = tpu.memref_squeeze %dma_start3A_685 : memref<1x400x32xf32, #tpu.memory_space<vmem>> -> memref<400x32xf32, #tpu.memory_space<vmem>>
      %dma_start3A_687 = arith.constant 0 : i32
      %dma_start3A_688 = tpu.memref_slice %arg5[%dma_start3A_681, %dma_start3A_687] : memref<8x400xi32, #tpu.memory_space<vmem>> -> memref<1x400xi32, #tpu.memory_space<vmem>>
      %dma_start3A_689 = tpu.memref_squeeze %dma_start3A_688 : memref<1x400xi32, #tpu.memory_space<vmem>> -> memref<400xi32, #tpu.memory_space<vmem>>
      %dma_start3A_690 = arith.constant 0 : i32
      %dma_start3A_691 = arith.constant 0 : i32
      %dma_start3A_692 = tpu.memref_slice %arg3[%dma_start3A_690, %dma_start3A_691] : memref<1000000x32xf32, #tpu.memory_space<hbm>> -> memref<1000000x32xf32, #tpu.memory_space<hbm>>
      tpu.enqueue_indirect_dma source(%dma_start3A_692 : memref<1000000x32xf32, #tpu.memory_space<hbm>>) target(%dma_start3A_686 : memref<400x32xf32, #tpu.memory_space<vmem>>) offsets(%dma_start3A_689 : memref<400xi32, #tpu.memory_space<vmem>>) semaphore(%arg8 : memref<!tpu.dma_semaphore, #tpu.memory_space<semaphore_mem>>)
      %dma_wait3A_693 = arith.constant 4 : i32
      %dma_wait3A_694 = arith.constant 4 : i32
      %dma_wait3A_695 = arith.constant 0 : i32
      %dma_wait3A_696 = arith.constant 0 : i32
      %dma_wait3A_697 = tpu.memref_slice %arg6[%dma_wait3A_694, %dma_wait3A_695, %dma_wait3A_696] : memref<8x400x32xf32, #tpu.memory_space<vmem>> -> memref<1x400x32xf32, #tpu.memory_space<vmem>>
      %dma_wait3A_698 = tpu.memref_squeeze %dma_wait3A_697 : memref<1x400x32xf32, #tpu.memory_space<vmem>> -> memref<400x32xf32, #tpu.memory_space<vmem>>
      %dma_wait3A_699 = arith.constant 0 : i32
      %dma_wait3A_700 = tpu.memref_slice %arg5[%dma_wait3A_693, %dma_wait3A_699] : memref<8x400xi32, #tpu.memory_space<vmem>> -> memref<1x400xi32, #tpu.memory_space<vmem>>
      %dma_wait3A_701 = tpu.memref_squeeze %dma_wait3A_700 : memref<1x400xi32, #tpu.memory_space<vmem>> -> memref<400xi32, #tpu.memory_space<vmem>>
      %dma_wait3A_702 = arith.constant 0 : i32
      %dma_wait3A_703 = arith.constant 0 : i32
      %dma_wait3A_704 = tpu.memref_slice %arg3[%dma_wait3A_702, %dma_wait3A_703] : memref<1000000x32xf32, #tpu.memory_space<hbm>> -> memref<1000000x32xf32, #tpu.memory_space<hbm>>
      tpu.wait_indirect_dma semaphore(%arg8 : memref<!tpu.dma_semaphore, #tpu.memory_space<semaphore_mem>>) src(%dma_wait3A_704 : memref<1000000x32xf32, #tpu.memory_space<hbm>>) dst(%dma_wait3A_698 : memref<400x32xf32, #tpu.memory_space<vmem>>)
      %dma_wait3A_705 = arith.constant 5 : i32
      %dma_wait3A_706 = arith.constant 5 : i32
      %dma_wait3A_707 = arith.constant 0 : i32
      %dma_wait3A_708 = arith.constant 0 : i32
      %dma_wait3A_709 = tpu.memref_slice %arg6[%dma_wait3A_706, %dma_wait3A_707, %dma_wait3A_708] : memref<8x400x32xf32, #tpu.memory_space<vmem>> -> memref<1x400x32xf32, #tpu.memory_space<vmem>>
      %dma_wait3A_710 = tpu.memref_squeeze %dma_wait3A_709 : memref<1x400x32xf32, #tpu.memory_space<vmem>> -> memref<400x32xf32, #tpu.memory_space<vmem>>
      %dma_wait3A_711 = arith.constant 0 : i32
      %dma_wait3A_712 = tpu.memref_slice %arg5[%dma_wait3A_705, %dma_wait3A_711] : memref<8x400xi32, #tpu.memory_space<vmem>> -> memref<1x400xi32, #tpu.memory_space<vmem>>
      %dma_wait3A_713 = tpu.memref_squeeze %dma_wait3A_712 : memref<1x400xi32, #tpu.memory_space<vmem>> -> memref<400xi32, #tpu.memory_space<vmem>>
      %dma_wait3A_714 = arith.constant 0 : i32
      %dma_wait3A_715 = arith.constant 0 : i32
      %dma_wait3A_716 = tpu.memref_slice %arg3[%dma_wait3A_714, %dma_wait3A_715] : memref<1000000x32xf32, #tpu.memory_space<hbm>> -> memref<1000000x32xf32, #tpu.memory_space<hbm>>
      tpu.wait_indirect_dma semaphore(%arg8 : memref<!tpu.dma_semaphore, #tpu.memory_space<semaphore_mem>>) src(%dma_wait3A_716 : memref<1000000x32xf32, #tpu.memory_space<hbm>>) dst(%dma_wait3A_710 : memref<400x32xf32, #tpu.memory_space<vmem>>)
      %dma_wait3A_717 = arith.constant 6 : i32
      %dma_wait3A_718 = arith.constant 6 : i32
      %dma_wait3A_719 = arith.constant 0 : i32
      %dma_wait3A_720 = arith.constant 0 : i32
      %dma_wait3A_721 = tpu.memref_slice %arg6[%dma_wait3A_718, %dma_wait3A_719, %dma_wait3A_720] : memref<8x400x32xf32, #tpu.memory_space<vmem>> -> memref<1x400x32xf32, #tpu.memory_space<vmem>>
      %dma_wait3A_722 = tpu.memref_squeeze %dma_wait3A_721 : memref<1x400x32xf32, #tpu.memory_space<vmem>> -> memref<400x32xf32, #tpu.memory_space<vmem>>
      %dma_wait3A_723 = arith.constant 0 : i32
      %dma_wait3A_724 = tpu.memref_slice %arg5[%dma_wait3A_717, %dma_wait3A_723] : memref<8x400xi32, #tpu.memory_space<vmem>> -> memref<1x400xi32, #tpu.memory_space<vmem>>
      %dma_wait3A_725 = tpu.memref_squeeze %dma_wait3A_724 : memref<1x400xi32, #tpu.memory_space<vmem>> -> memref<400xi32, #tpu.memory_space<vmem>>
      %dma_wait3A_726 = arith.constant 0 : i32
      %dma_wait3A_727 = arith.constant 0 : i32
      %dma_wait3A_728 = tpu.memref_slice %arg3[%dma_wait3A_726, %dma_wait3A_727] : memref<1000000x32xf32, #tpu.memory_space<hbm>> -> memref<1000000x32xf32, #tpu.memory_space<hbm>>
      tpu.wait_indirect_dma semaphore(%arg8 : memref<!tpu.dma_semaphore, #tpu.memory_space<semaphore_mem>>) src(%dma_wait3A_728 : memref<1000000x32xf32, #tpu.memory_space<hbm>>) dst(%dma_wait3A_722 : memref<400x32xf32, #tpu.memory_space<vmem>>)
      %dma_wait3A_729 = arith.constant 7 : i32
      %dma_wait3A_730 = arith.constant 7 : i32
      %dma_wait3A_731 = arith.constant 0 : i32
      %dma_wait3A_732 = arith.constant 0 : i32
      %dma_wait3A_733 = tpu.memref_slice %arg6[%dma_wait3A_730, %dma_wait3A_731, %dma_wait3A_732] : memref<8x400x32xf32, #tpu.memory_space<vmem>> -> memref<1x400x32xf32, #tpu.memory_space<vmem>>
      %dma_wait3A_734 = tpu.memref_squeeze %dma_wait3A_733 : memref<1x400x32xf32, #tpu.memory_space<vmem>> -> memref<400x32xf32, #tpu.memory_space<vmem>>
      %dma_wait3A_735 = arith.constant 0 : i32
      %dma_wait3A_736 = tpu.memref_slice %arg5[%dma_wait3A_729, %dma_wait3A_735] : memref<8x400xi32, #tpu.memory_space<vmem>> -> memref<1x400xi32, #tpu.memory_space<vmem>>
      %dma_wait3A_737 = tpu.memref_squeeze %dma_wait3A_736 : memref<1x400xi32, #tpu.memory_space<vmem>> -> memref<400xi32, #tpu.memory_space<vmem>>
      %dma_wait3A_738 = arith.constant 0 : i32
      %dma_wait3A_739 = arith.constant 0 : i32
      %dma_wait3A_740 = tpu.memref_slice %arg3[%dma_wait3A_738, %dma_wait3A_739] : memref<1000000x32xf32, #tpu.memory_space<hbm>> -> memref<1000000x32xf32, #tpu.memory_space<hbm>>
      tpu.wait_indirect_dma semaphore(%arg8 : memref<!tpu.dma_semaphore, #tpu.memory_space<semaphore_mem>>) src(%dma_wait3A_740 : memref<1000000x32xf32, #tpu.memory_space<hbm>>) dst(%dma_wait3A_734 : memref<400x32xf32, #tpu.memory_space<vmem>>)
      %mul3A_741 = arith.constant 4 : i32
      %mul3A_742 = arith.muli %add3A_487, %mul3A_741 : i32
      %add3A_743 = arith.constant 0 : i32
      %add3A_744 = arith.addi %mul3A_742, %add3A_743 : i32
      %mul3A_745 = arith.constant 400 : i32
      %mul3A_746 = arith.muli %add3A_744, %mul3A_745 : i32
      %add3A_747 = arith.addi %mul3A_2, %mul3A_746 : i32
      %dma_start3A_748 = arith.constant 4 : i32
      %dma_start3A_749 = arith.constant 1 : i32
      %dma_start3A_750 = arith.constant 0 : i32
      %dma_start3A_751 = arith.constant 0 : i32
      %dma_start3A_752 = tpu.memref_slice %arg6[%dma_start3A_748, %dma_start3A_750, %dma_start3A_751] : memref<8x400x32xf32, #tpu.memory_space<vmem>> -> memref<1x400x32xf32, #tpu.memory_space<vmem>>
      %dma_start3A_753 = tpu.memref_squeeze %dma_start3A_752 : memref<1x400x32xf32, #tpu.memory_space<vmem>> -> memref<400x32xf32, #tpu.memory_space<vmem>>
      %dma_start3A_754 = arith.constant 0 : i32
      %dma_start3A_755 = tpu.memref_slice %arg4[%add3A_747, %dma_start3A_754] : memref<819200x32xf32, #tpu.memory_space<hbm>> -> memref<400x32xf32, #tpu.memory_space<hbm>>
      %dma_start3A_756 = tpu.memref_slice %arg9[%dma_start3A_749] : memref<2x!tpu.dma_semaphore, #tpu.memory_space<semaphore_mem>> -> memref<1x!tpu.dma_semaphore, #tpu.memory_space<semaphore_mem>>
      %dma_start3A_757 = tpu.memref_squeeze %dma_start3A_756 : memref<1x!tpu.dma_semaphore, #tpu.memory_space<semaphore_mem>> -> memref<!tpu.dma_semaphore, #tpu.memory_space<semaphore_mem>>
      %dma_start3A_758 = arith.constant 0 : i32
      %dma_start3A_759 = tpu.memref_slice %arg4[%add3A_747, %dma_start3A_758] : memref<819200x32xf32, #tpu.memory_space<hbm>> -> memref<400x32xf32, #tpu.memory_space<hbm>>
      %dma_start3A_760 = arith.constant 0 : i32
      %dma_start3A_761 = arith.constant 0 : i32
      %dma_start3A_762 = tpu.memref_slice %arg6[%dma_start3A_748, %dma_start3A_760, %dma_start3A_761] : memref<8x400x32xf32, #tpu.memory_space<vmem>> -> memref<1x400x32xf32, #tpu.memory_space<vmem>>
      %dma_start3A_763 = tpu.memref_squeeze %dma_start3A_762 : memref<1x400x32xf32, #tpu.memory_space<vmem>> -> memref<400x32xf32, #tpu.memory_space<vmem>>
      tpu.enqueue_dma source(%dma_start3A_763 : memref<400x32xf32, #tpu.memory_space<vmem>>) target(%dma_start3A_759 : memref<400x32xf32, #tpu.memory_space<hbm>>) target_semaphore(%dma_start3A_757 : memref<!tpu.dma_semaphore, #tpu.memory_space<semaphore_mem>>)
      %mul3A_764 = arith.constant 4 : i32
      %mul3A_765 = arith.muli %add3A_487, %mul3A_764 : i32
      %add3A_766 = arith.constant 1 : i32
      %add3A_767 = arith.addi %mul3A_765, %add3A_766 : i32
      %mul3A_768 = arith.constant 400 : i32
      %mul3A_769 = arith.muli %add3A_767, %mul3A_768 : i32
      %add3A_770 = arith.addi %mul3A_2, %mul3A_769 : i32
      %dma_start3A_771 = arith.constant 5 : i32
      %dma_start3A_772 = arith.constant 1 : i32
      %dma_start3A_773 = arith.constant 0 : i32
      %dma_start3A_774 = arith.constant 0 : i32
      %dma_start3A_775 = tpu.memref_slice %arg6[%dma_start3A_771, %dma_start3A_773, %dma_start3A_774] : memref<8x400x32xf32, #tpu.memory_space<vmem>> -> memref<1x400x32xf32, #tpu.memory_space<vmem>>
      %dma_start3A_776 = tpu.memref_squeeze %dma_start3A_775 : memref<1x400x32xf32, #tpu.memory_space<vmem>> -> memref<400x32xf32, #tpu.memory_space<vmem>>
      %dma_start3A_777 = arith.constant 0 : i32
      %dma_start3A_778 = tpu.memref_slice %arg4[%add3A_770, %dma_start3A_777] : memref<819200x32xf32, #tpu.memory_space<hbm>> -> memref<400x32xf32, #tpu.memory_space<hbm>>
      %dma_start3A_779 = tpu.memref_slice %arg9[%dma_start3A_772] : memref<2x!tpu.dma_semaphore, #tpu.memory_space<semaphore_mem>> -> memref<1x!tpu.dma_semaphore, #tpu.memory_space<semaphore_mem>>
      %dma_start3A_780 = tpu.memref_squeeze %dma_start3A_779 : memref<1x!tpu.dma_semaphore, #tpu.memory_space<semaphore_mem>> -> memref<!tpu.dma_semaphore, #tpu.memory_space<semaphore_mem>>
      %dma_start3A_781 = arith.constant 0 : i32
      %dma_start3A_782 = tpu.memref_slice %arg4[%add3A_770, %dma_start3A_781] : memref<819200x32xf32, #tpu.memory_space<hbm>> -> memref<400x32xf32, #tpu.memory_space<hbm>>
      %dma_start3A_783 = arith.constant 0 : i32
      %dma_start3A_784 = arith.constant 0 : i32
      %dma_start3A_785 = tpu.memref_slice %arg6[%dma_start3A_771, %dma_start3A_783, %dma_start3A_784] : memref<8x400x32xf32, #tpu.memory_space<vmem>> -> memref<1x400x32xf32, #tpu.memory_space<vmem>>
      %dma_start3A_786 = tpu.memref_squeeze %dma_start3A_785 : memref<1x400x32xf32, #tpu.memory_space<vmem>> -> memref<400x32xf32, #tpu.memory_space<vmem>>
      tpu.enqueue_dma source(%dma_start3A_786 : memref<400x32xf32, #tpu.memory_space<vmem>>) target(%dma_start3A_782 : memref<400x32xf32, #tpu.memory_space<hbm>>) target_semaphore(%dma_start3A_780 : memref<!tpu.dma_semaphore, #tpu.memory_space<semaphore_mem>>)
      %mul3A_787 = arith.constant 4 : i32
      %mul3A_788 = arith.muli %add3A_487, %mul3A_787 : i32
      %add3A_789 = arith.constant 2 : i32
      %add3A_790 = arith.addi %mul3A_788, %add3A_789 : i32
      %mul3A_791 = arith.constant 400 : i32
      %mul3A_792 = arith.muli %add3A_790, %mul3A_791 : i32
      %add3A_793 = arith.addi %mul3A_2, %mul3A_792 : i32
      %dma_start3A_794 = arith.constant 6 : i32
      %dma_start3A_795 = arith.constant 1 : i32
      %dma_start3A_796 = arith.constant 0 : i32
      %dma_start3A_797 = arith.constant 0 : i32
      %dma_start3A_798 = tpu.memref_slice %arg6[%dma_start3A_794, %dma_start3A_796, %dma_start3A_797] : memref<8x400x32xf32, #tpu.memory_space<vmem>> -> memref<1x400x32xf32, #tpu.memory_space<vmem>>
      %dma_start3A_799 = tpu.memref_squeeze %dma_start3A_798 : memref<1x400x32xf32, #tpu.memory_space<vmem>> -> memref<400x32xf32, #tpu.memory_space<vmem>>
      %dma_start3A_800 = arith.constant 0 : i32
      %dma_start3A_801 = tpu.memref_slice %arg4[%add3A_793, %dma_start3A_800] : memref<819200x32xf32, #tpu.memory_space<hbm>> -> memref<400x32xf32, #tpu.memory_space<hbm>>
      %dma_start3A_802 = tpu.memref_slice %arg9[%dma_start3A_795] : memref<2x!tpu.dma_semaphore, #tpu.memory_space<semaphore_mem>> -> memref<1x!tpu.dma_semaphore, #tpu.memory_space<semaphore_mem>>
      %dma_start3A_803 = tpu.memref_squeeze %dma_start3A_802 : memref<1x!tpu.dma_semaphore, #tpu.memory_space<semaphore_mem>> -> memref<!tpu.dma_semaphore, #tpu.memory_space<semaphore_mem>>
      %dma_start3A_804 = arith.constant 0 : i32
      %dma_start3A_805 = tpu.memref_slice %arg4[%add3A_793, %dma_start3A_804] : memref<819200x32xf32, #tpu.memory_space<hbm>> -> memref<400x32xf32, #tpu.memory_space<hbm>>
      %dma_start3A_806 = arith.constant 0 : i32
      %dma_start3A_807 = arith.constant 0 : i32
      %dma_start3A_808 = tpu.memref_slice %arg6[%dma_start3A_794, %dma_start3A_806, %dma_start3A_807] : memref<8x400x32xf32, #tpu.memory_space<vmem>> -> memref<1x400x32xf32, #tpu.memory_space<vmem>>
      %dma_start3A_809 = tpu.memref_squeeze %dma_start3A_808 : memref<1x400x32xf32, #tpu.memory_space<vmem>> -> memref<400x32xf32, #tpu.memory_space<vmem>>
      tpu.enqueue_dma source(%dma_start3A_809 : memref<400x32xf32, #tpu.memory_space<vmem>>) target(%dma_start3A_805 : memref<400x32xf32, #tpu.memory_space<hbm>>) target_semaphore(%dma_start3A_803 : memref<!tpu.dma_semaphore, #tpu.memory_space<semaphore_mem>>)
      %mul3A_810 = arith.constant 4 : i32
      %mul3A_811 = arith.muli %add3A_487, %mul3A_810 : i32
      %add3A_812 = arith.constant 3 : i32
      %add3A_813 = arith.addi %mul3A_811, %add3A_812 : i32
      %mul3A_814 = arith.constant 400 : i32
      %mul3A_815 = arith.muli %add3A_813, %mul3A_814 : i32
      %add3A_816 = arith.addi %mul3A_2, %mul3A_815 : i32
      %dma_start3A_817 = arith.constant 7 : i32
      %dma_start3A_818 = arith.constant 1 : i32
      %dma_start3A_819 = arith.constant 0 : i32
      %dma_start3A_820 = arith.constant 0 : i32
      %dma_start3A_821 = tpu.memref_slice %arg6[%dma_start3A_817, %dma_start3A_819, %dma_start3A_820] : memref<8x400x32xf32, #tpu.memory_space<vmem>> -> memref<1x400x32xf32, #tpu.memory_space<vmem>>
      %dma_start3A_822 = tpu.memref_squeeze %dma_start3A_821 : memref<1x400x32xf32, #tpu.memory_space<vmem>> -> memref<400x32xf32, #tpu.memory_space<vmem>>
      %dma_start3A_823 = arith.constant 0 : i32
      %dma_start3A_824 = tpu.memref_slice %arg4[%add3A_816, %dma_start3A_823] : memref<819200x32xf32, #tpu.memory_space<hbm>> -> memref<400x32xf32, #tpu.memory_space<hbm>>
      %dma_start3A_825 = tpu.memref_slice %arg9[%dma_start3A_818] : memref<2x!tpu.dma_semaphore, #tpu.memory_space<semaphore_mem>> -> memref<1x!tpu.dma_semaphore, #tpu.memory_space<semaphore_mem>>
      %dma_start3A_826 = tpu.memref_squeeze %dma_start3A_825 : memref<1x!tpu.dma_semaphore, #tpu.memory_space<semaphore_mem>> -> memref<!tpu.dma_semaphore, #tpu.memory_space<semaphore_mem>>
      %dma_start3A_827 = arith.constant 0 : i32
      %dma_start3A_828 = tpu.memref_slice %arg4[%add3A_816, %dma_start3A_827] : memref<819200x32xf32, #tpu.memory_space<hbm>> -> memref<400x32xf32, #tpu.memory_space<hbm>>
      %dma_start3A_829 = arith.constant 0 : i32
      %dma_start3A_830 = arith.constant 0 : i32
      %dma_start3A_831 = tpu.memref_slice %arg6[%dma_start3A_817, %dma_start3A_829, %dma_start3A_830] : memref<8x400x32xf32, #tpu.memory_space<vmem>> -> memref<1x400x32xf32, #tpu.memory_space<vmem>>
      %dma_start3A_832 = tpu.memref_squeeze %dma_start3A_831 : memref<1x400x32xf32, #tpu.memory_space<vmem>> -> memref<400x32xf32, #tpu.memory_space<vmem>>
      tpu.enqueue_dma source(%dma_start3A_832 : memref<400x32xf32, #tpu.memory_space<vmem>>) target(%dma_start3A_828 : memref<400x32xf32, #tpu.memory_space<hbm>>) target_semaphore(%dma_start3A_826 : memref<!tpu.dma_semaphore, #tpu.memory_space<semaphore_mem>>)
    }
    %scan3A_6 = arith.constant 8 : i32
    %dma_wait3A = arith.constant 0 : i32
    %dma_wait3A_7 = arith.constant 0 : i32
    %dma_wait3A_8 = arith.constant 0 : i32
    %dma_wait3A_9 = arith.constant 0 : i32
    %dma_wait3A_10 = tpu.memref_slice %arg6[%dma_wait3A, %dma_wait3A_8, %dma_wait3A_9] : memref<8x400x32xf32, #tpu.memory_space<vmem>> -> memref<1x400x32xf32, #tpu.memory_space<vmem>>
    %dma_wait3A_11 = tpu.memref_squeeze %dma_wait3A_10 : memref<1x400x32xf32, #tpu.memory_space<vmem>> -> memref<400x32xf32, #tpu.memory_space<vmem>>
    %dma_wait3A_12 = arith.constant 0 : i32
    %dma_wait3A_13 = tpu.memref_slice %arg4[%mul3A_2, %dma_wait3A_12] : memref<819200x32xf32, #tpu.memory_space<hbm>> -> memref<400x32xf32, #tpu.memory_space<hbm>>
    %dma_wait3A_14 = tpu.memref_slice %arg9[%dma_wait3A_7] : memref<2x!tpu.dma_semaphore, #tpu.memory_space<semaphore_mem>> -> memref<1x!tpu.dma_semaphore, #tpu.memory_space<semaphore_mem>>
    %dma_wait3A_15 = tpu.memref_squeeze %dma_wait3A_14 : memref<1x!tpu.dma_semaphore, #tpu.memory_space<semaphore_mem>> -> memref<!tpu.dma_semaphore, #tpu.memory_space<semaphore_mem>>
    %dma_wait3A_16 = arith.constant 0 : i32
    %dma_wait3A_17 = tpu.memref_slice %arg4[%mul3A_2, %dma_wait3A_16] : memref<819200x32xf32, #tpu.memory_space<hbm>> -> memref<400x32xf32, #tpu.memory_space<hbm>>
    %dma_wait3A_18 = arith.constant 0 : i32
    %dma_wait3A_19 = arith.constant 0 : i32
    %dma_wait3A_20 = tpu.memref_slice %arg6[%dma_wait3A, %dma_wait3A_18, %dma_wait3A_19] : memref<8x400x32xf32, #tpu.memory_space<vmem>> -> memref<1x400x32xf32, #tpu.memory_space<vmem>>
    %dma_wait3A_21 = tpu.memref_squeeze %dma_wait3A_20 : memref<1x400x32xf32, #tpu.memory_space<vmem>> -> memref<400x32xf32, #tpu.memory_space<vmem>>
    tpu.wait_dma2 semaphore(%dma_wait3A_15 : memref<!tpu.dma_semaphore, #tpu.memory_space<semaphore_mem>>) src(%dma_wait3A_21 : memref<400x32xf32, #tpu.memory_space<vmem>>) dst(%dma_wait3A_17 : memref<400x32xf32, #tpu.memory_space<hbm>>)
    %dma_wait3A_22 = arith.constant 1 : i32
    %dma_wait3A_23 = arith.constant 0 : i32
    %dma_wait3A_24 = arith.constant 0 : i32
    %dma_wait3A_25 = arith.constant 0 : i32
    %dma_wait3A_26 = tpu.memref_slice %arg6[%dma_wait3A_22, %dma_wait3A_24, %dma_wait3A_25] : memref<8x400x32xf32, #tpu.memory_space<vmem>> -> memref<1x400x32xf32, #tpu.memory_space<vmem>>
    %dma_wait3A_27 = tpu.memref_squeeze %dma_wait3A_26 : memref<1x400x32xf32, #tpu.memory_space<vmem>> -> memref<400x32xf32, #tpu.memory_space<vmem>>
    %dma_wait3A_28 = arith.constant 0 : i32
    %dma_wait3A_29 = tpu.memref_slice %arg4[%mul3A_2, %dma_wait3A_28] : memref<819200x32xf32, #tpu.memory_space<hbm>> -> memref<400x32xf32, #tpu.memory_space<hbm>>
    %dma_wait3A_30 = tpu.memref_slice %arg9[%dma_wait3A_23] : memref<2x!tpu.dma_semaphore, #tpu.memory_space<semaphore_mem>> -> memref<1x!tpu.dma_semaphore, #tpu.memory_space<semaphore_mem>>
    %dma_wait3A_31 = tpu.memref_squeeze %dma_wait3A_30 : memref<1x!tpu.dma_semaphore, #tpu.memory_space<semaphore_mem>> -> memref<!tpu.dma_semaphore, #tpu.memory_space<semaphore_mem>>
    %dma_wait3A_32 = arith.constant 0 : i32
    %dma_wait3A_33 = tpu.memref_slice %arg4[%mul3A_2, %dma_wait3A_32] : memref<819200x32xf32, #tpu.memory_space<hbm>> -> memref<400x32xf32, #tpu.memory_space<hbm>>
    %dma_wait3A_34 = arith.constant 0 : i32
    %dma_wait3A_35 = arith.constant 0 : i32
    %dma_wait3A_36 = tpu.memref_slice %arg6[%dma_wait3A_22, %dma_wait3A_34, %dma_wait3A_35] : memref<8x400x32xf32, #tpu.memory_space<vmem>> -> memref<1x400x32xf32, #tpu.memory_space<vmem>>
    %dma_wait3A_37 = tpu.memref_squeeze %dma_wait3A_36 : memref<1x400x32xf32, #tpu.memory_space<vmem>> -> memref<400x32xf32, #tpu.memory_space<vmem>>
    tpu.wait_dma2 semaphore(%dma_wait3A_31 : memref<!tpu.dma_semaphore, #tpu.memory_space<semaphore_mem>>) src(%dma_wait3A_37 : memref<400x32xf32, #tpu.memory_space<vmem>>) dst(%dma_wait3A_33 : memref<400x32xf32, #tpu.memory_space<hbm>>)
    %dma_wait3A_38 = arith.constant 2 : i32
    %dma_wait3A_39 = arith.constant 0 : i32
    %dma_wait3A_40 = arith.constant 0 : i32
    %dma_wait3A_41 = arith.constant 0 : i32
    %dma_wait3A_42 = tpu.memref_slice %arg6[%dma_wait3A_38, %dma_wait3A_40, %dma_wait3A_41] : memref<8x400x32xf32, #tpu.memory_space<vmem>> -> memref<1x400x32xf32, #tpu.memory_space<vmem>>
    %dma_wait3A_43 = tpu.memref_squeeze %dma_wait3A_42 : memref<1x400x32xf32, #tpu.memory_space<vmem>> -> memref<400x32xf32, #tpu.memory_space<vmem>>
    %dma_wait3A_44 = arith.constant 0 : i32
    %dma_wait3A_45 = tpu.memref_slice %arg4[%mul3A_2, %dma_wait3A_44] : memref<819200x32xf32, #tpu.memory_space<hbm>> -> memref<400x32xf32, #tpu.memory_space<hbm>>
    %dma_wait3A_46 = tpu.memref_slice %arg9[%dma_wait3A_39] : memref<2x!tpu.dma_semaphore, #tpu.memory_space<semaphore_mem>> -> memref<1x!tpu.dma_semaphore, #tpu.memory_space<semaphore_mem>>
    %dma_wait3A_47 = tpu.memref_squeeze %dma_wait3A_46 : memref<1x!tpu.dma_semaphore, #tpu.memory_space<semaphore_mem>> -> memref<!tpu.dma_semaphore, #tpu.memory_space<semaphore_mem>>
    %dma_wait3A_48 = arith.constant 0 : i32
    %dma_wait3A_49 = tpu.memref_slice %arg4[%mul3A_2, %dma_wait3A_48] : memref<819200x32xf32, #tpu.memory_space<hbm>> -> memref<400x32xf32, #tpu.memory_space<hbm>>
    %dma_wait3A_50 = arith.constant 0 : i32
    %dma_wait3A_51 = arith.constant 0 : i32
    %dma_wait3A_52 = tpu.memref_slice %arg6[%dma_wait3A_38, %dma_wait3A_50, %dma_wait3A_51] : memref<8x400x32xf32, #tpu.memory_space<vmem>> -> memref<1x400x32xf32, #tpu.memory_space<vmem>>
    %dma_wait3A_53 = tpu.memref_squeeze %dma_wait3A_52 : memref<1x400x32xf32, #tpu.memory_space<vmem>> -> memref<400x32xf32, #tpu.memory_space<vmem>>
    tpu.wait_dma2 semaphore(%dma_wait3A_47 : memref<!tpu.dma_semaphore, #tpu.memory_space<semaphore_mem>>) src(%dma_wait3A_53 : memref<400x32xf32, #tpu.memory_space<vmem>>) dst(%dma_wait3A_49 : memref<400x32xf32, #tpu.memory_space<hbm>>)
    %dma_wait3A_54 = arith.constant 3 : i32
    %dma_wait3A_55 = arith.constant 0 : i32
    %dma_wait3A_56 = arith.constant 0 : i32
    %dma_wait3A_57 = arith.constant 0 : i32
    %dma_wait3A_58 = tpu.memref_slice %arg6[%dma_wait3A_54, %dma_wait3A_56, %dma_wait3A_57] : memref<8x400x32xf32, #tpu.memory_space<vmem>> -> memref<1x400x32xf32, #tpu.memory_space<vmem>>
    %dma_wait3A_59 = tpu.memref_squeeze %dma_wait3A_58 : memref<1x400x32xf32, #tpu.memory_space<vmem>> -> memref<400x32xf32, #tpu.memory_space<vmem>>
    %dma_wait3A_60 = arith.constant 0 : i32
    %dma_wait3A_61 = tpu.memref_slice %arg4[%mul3A_2, %dma_wait3A_60] : memref<819200x32xf32, #tpu.memory_space<hbm>> -> memref<400x32xf32, #tpu.memory_space<hbm>>
    %dma_wait3A_62 = tpu.memref_slice %arg9[%dma_wait3A_55] : memref<2x!tpu.dma_semaphore, #tpu.memory_space<semaphore_mem>> -> memref<1x!tpu.dma_semaphore, #tpu.memory_space<semaphore_mem>>
    %dma_wait3A_63 = tpu.memref_squeeze %dma_wait3A_62 : memref<1x!tpu.dma_semaphore, #tpu.memory_space<semaphore_mem>> -> memref<!tpu.dma_semaphore, #tpu.memory_space<semaphore_mem>>
    %dma_wait3A_64 = arith.constant 0 : i32
    %dma_wait3A_65 = tpu.memref_slice %arg4[%mul3A_2, %dma_wait3A_64] : memref<819200x32xf32, #tpu.memory_space<hbm>> -> memref<400x32xf32, #tpu.memory_space<hbm>>
    %dma_wait3A_66 = arith.constant 0 : i32
    %dma_wait3A_67 = arith.constant 0 : i32
    %dma_wait3A_68 = tpu.memref_slice %arg6[%dma_wait3A_54, %dma_wait3A_66, %dma_wait3A_67] : memref<8x400x32xf32, #tpu.memory_space<vmem>> -> memref<1x400x32xf32, #tpu.memory_space<vmem>>
    %dma_wait3A_69 = tpu.memref_squeeze %dma_wait3A_68 : memref<1x400x32xf32, #tpu.memory_space<vmem>> -> memref<400x32xf32, #tpu.memory_space<vmem>>
    tpu.wait_dma2 semaphore(%dma_wait3A_63 : memref<!tpu.dma_semaphore, #tpu.memory_space<semaphore_mem>>) src(%dma_wait3A_69 : memref<400x32xf32, #tpu.memory_space<vmem>>) dst(%dma_wait3A_65 : memref<400x32xf32, #tpu.memory_space<hbm>>)
    %dma_wait3A_70 = arith.constant 4 : i32
    %dma_wait3A_71 = arith.constant 1 : i32
    %dma_wait3A_72 = arith.constant 0 : i32
    %dma_wait3A_73 = arith.constant 0 : i32
    %dma_wait3A_74 = tpu.memref_slice %arg6[%dma_wait3A_70, %dma_wait3A_72, %dma_wait3A_73] : memref<8x400x32xf32, #tpu.memory_space<vmem>> -> memref<1x400x32xf32, #tpu.memory_space<vmem>>
    %dma_wait3A_75 = tpu.memref_squeeze %dma_wait3A_74 : memref<1x400x32xf32, #tpu.memory_space<vmem>> -> memref<400x32xf32, #tpu.memory_space<vmem>>
    %dma_wait3A_76 = arith.constant 0 : i32
    %dma_wait3A_77 = tpu.memref_slice %arg4[%mul3A_2, %dma_wait3A_76] : memref<819200x32xf32, #tpu.memory_space<hbm>> -> memref<400x32xf32, #tpu.memory_space<hbm>>
    %dma_wait3A_78 = tpu.memref_slice %arg9[%dma_wait3A_71] : memref<2x!tpu.dma_semaphore, #tpu.memory_space<semaphore_mem>> -> memref<1x!tpu.dma_semaphore, #tpu.memory_space<semaphore_mem>>
    %dma_wait3A_79 = tpu.memref_squeeze %dma_wait3A_78 : memref<1x!tpu.dma_semaphore, #tpu.memory_space<semaphore_mem>> -> memref<!tpu.dma_semaphore, #tpu.memory_space<semaphore_mem>>
    %dma_wait3A_80 = arith.constant 0 : i32
    %dma_wait3A_81 = tpu.memref_slice %arg4[%mul3A_2, %dma_wait3A_80] : memref<819200x32xf32, #tpu.memory_space<hbm>> -> memref<400x32xf32, #tpu.memory_space<hbm>>
    %dma_wait3A_82 = arith.constant 0 : i32
    %dma_wait3A_83 = arith.constant 0 : i32
    %dma_wait3A_84 = tpu.memref_slice %arg6[%dma_wait3A_70, %dma_wait3A_82, %dma_wait3A_83] : memref<8x400x32xf32, #tpu.memory_space<vmem>> -> memref<1x400x32xf32, #tpu.memory_space<vmem>>
    %dma_wait3A_85 = tpu.memref_squeeze %dma_wait3A_84 : memref<1x400x32xf32, #tpu.memory_space<vmem>> -> memref<400x32xf32, #tpu.memory_space<vmem>>
    tpu.wait_dma2 semaphore(%dma_wait3A_79 : memref<!tpu.dma_semaphore, #tpu.memory_space<semaphore_mem>>) src(%dma_wait3A_85 : memref<400x32xf32, #tpu.memory_space<vmem>>) dst(%dma_wait3A_81 : memref<400x32xf32, #tpu.memory_space<hbm>>)
    %dma_wait3A_86 = arith.constant 5 : i32
    %dma_wait3A_87 = arith.constant 1 : i32
    %dma_wait3A_88 = arith.constant 0 : i32
    %dma_wait3A_89 = arith.constant 0 : i32
    %dma_wait3A_90 = tpu.memref_slice %arg6[%dma_wait3A_86, %dma_wait3A_88, %dma_wait3A_89] : memref<8x400x32xf32, #tpu.memory_space<vmem>> -> memref<1x400x32xf32, #tpu.memory_space<vmem>>
    %dma_wait3A_91 = tpu.memref_squeeze %dma_wait3A_90 : memref<1x400x32xf32, #tpu.memory_space<vmem>> -> memref<400x32xf32, #tpu.memory_space<vmem>>
    %dma_wait3A_92 = arith.constant 0 : i32
    %dma_wait3A_93 = tpu.memref_slice %arg4[%mul3A_2, %dma_wait3A_92] : memref<819200x32xf32, #tpu.memory_space<hbm>> -> memref<400x32xf32, #tpu.memory_space<hbm>>
    %dma_wait3A_94 = tpu.memref_slice %arg9[%dma_wait3A_87] : memref<2x!tpu.dma_semaphore, #tpu.memory_space<semaphore_mem>> -> memref<1x!tpu.dma_semaphore, #tpu.memory_space<semaphore_mem>>
    %dma_wait3A_95 = tpu.memref_squeeze %dma_wait3A_94 : memref<1x!tpu.dma_semaphore, #tpu.memory_space<semaphore_mem>> -> memref<!tpu.dma_semaphore, #tpu.memory_space<semaphore_mem>>
    %dma_wait3A_96 = arith.constant 0 : i32
    %dma_wait3A_97 = tpu.memref_slice %arg4[%mul3A_2, %dma_wait3A_96] : memref<819200x32xf32, #tpu.memory_space<hbm>> -> memref<400x32xf32, #tpu.memory_space<hbm>>
    %dma_wait3A_98 = arith.constant 0 : i32
    %dma_wait3A_99 = arith.constant 0 : i32
    %dma_wait3A_100 = tpu.memref_slice %arg6[%dma_wait3A_86, %dma_wait3A_98, %dma_wait3A_99] : memref<8x400x32xf32, #tpu.memory_space<vmem>> -> memref<1x400x32xf32, #tpu.memory_space<vmem>>
    %dma_wait3A_101 = tpu.memref_squeeze %dma_wait3A_100 : memref<1x400x32xf32, #tpu.memory_space<vmem>> -> memref<400x32xf32, #tpu.memory_space<vmem>>
    tpu.wait_dma2 semaphore(%dma_wait3A_95 : memref<!tpu.dma_semaphore, #tpu.memory_space<semaphore_mem>>) src(%dma_wait3A_101 : memref<400x32xf32, #tpu.memory_space<vmem>>) dst(%dma_wait3A_97 : memref<400x32xf32, #tpu.memory_space<hbm>>)
    %dma_wait3A_102 = arith.constant 6 : i32
    %dma_wait3A_103 = arith.constant 1 : i32
    %dma_wait3A_104 = arith.constant 0 : i32
    %dma_wait3A_105 = arith.constant 0 : i32
    %dma_wait3A_106 = tpu.memref_slice %arg6[%dma_wait3A_102, %dma_wait3A_104, %dma_wait3A_105] : memref<8x400x32xf32, #tpu.memory_space<vmem>> -> memref<1x400x32xf32, #tpu.memory_space<vmem>>
    %dma_wait3A_107 = tpu.memref_squeeze %dma_wait3A_106 : memref<1x400x32xf32, #tpu.memory_space<vmem>> -> memref<400x32xf32, #tpu.memory_space<vmem>>
    %dma_wait3A_108 = arith.constant 0 : i32
    %dma_wait3A_109 = tpu.memref_slice %arg4[%mul3A_2, %dma_wait3A_108] : memref<819200x32xf32, #tpu.memory_space<hbm>> -> memref<400x32xf32, #tpu.memory_space<hbm>>
    %dma_wait3A_110 = tpu.memref_slice %arg9[%dma_wait3A_103] : memref<2x!tpu.dma_semaphore, #tpu.memory_space<semaphore_mem>> -> memref<1x!tpu.dma_semaphore, #tpu.memory_space<semaphore_mem>>
    %dma_wait3A_111 = tpu.memref_squeeze %dma_wait3A_110 : memref<1x!tpu.dma_semaphore, #tpu.memory_space<semaphore_mem>> -> memref<!tpu.dma_semaphore, #tpu.memory_space<semaphore_mem>>
    %dma_wait3A_112 = arith.constant 0 : i32
    %dma_wait3A_113 = tpu.memref_slice %arg4[%mul3A_2, %dma_wait3A_112] : memref<819200x32xf32, #tpu.memory_space<hbm>> -> memref<400x32xf32, #tpu.memory_space<hbm>>
    %dma_wait3A_114 = arith.constant 0 : i32
    %dma_wait3A_115 = arith.constant 0 : i32
    %dma_wait3A_116 = tpu.memref_slice %arg6[%dma_wait3A_102, %dma_wait3A_114, %dma_wait3A_115] : memref<8x400x32xf32, #tpu.memory_space<vmem>> -> memref<1x400x32xf32, #tpu.memory_space<vmem>>
    %dma_wait3A_117 = tpu.memref_squeeze %dma_wait3A_116 : memref<1x400x32xf32, #tpu.memory_space<vmem>> -> memref<400x32xf32, #tpu.memory_space<vmem>>
    tpu.wait_dma2 semaphore(%dma_wait3A_111 : memref<!tpu.dma_semaphore, #tpu.memory_space<semaphore_mem>>) src(%dma_wait3A_117 : memref<400x32xf32, #tpu.memory_space<vmem>>) dst(%dma_wait3A_113 : memref<400x32xf32, #tpu.memory_space<hbm>>)
    %dma_wait3A_118 = arith.constant 7 : i32
    %dma_wait3A_119 = arith.constant 1 : i32
    %dma_wait3A_120 = arith.constant 0 : i32
    %dma_wait3A_121 = arith.constant 0 : i32
    %dma_wait3A_122 = tpu.memref_slice %arg6[%dma_wait3A_118, %dma_wait3A_120, %dma_wait3A_121] : memref<8x400x32xf32, #tpu.memory_space<vmem>> -> memref<1x400x32xf32, #tpu.memory_space<vmem>>
    %dma_wait3A_123 = tpu.memref_squeeze %dma_wait3A_122 : memref<1x400x32xf32, #tpu.memory_space<vmem>> -> memref<400x32xf32, #tpu.memory_space<vmem>>
    %dma_wait3A_124 = arith.constant 0 : i32
    %dma_wait3A_125 = tpu.memref_slice %arg4[%mul3A_2, %dma_wait3A_124] : memref<819200x32xf32, #tpu.memory_space<hbm>> -> memref<400x32xf32, #tpu.memory_space<hbm>>
    %dma_wait3A_126 = tpu.memref_slice %arg9[%dma_wait3A_119] : memref<2x!tpu.dma_semaphore, #tpu.memory_space<semaphore_mem>> -> memref<1x!tpu.dma_semaphore, #tpu.memory_space<semaphore_mem>>
    %dma_wait3A_127 = tpu.memref_squeeze %dma_wait3A_126 : memref<1x!tpu.dma_semaphore, #tpu.memory_space<semaphore_mem>> -> memref<!tpu.dma_semaphore, #tpu.memory_space<semaphore_mem>>
    %dma_wait3A_128 = arith.constant 0 : i32
    %dma_wait3A_129 = tpu.memref_slice %arg4[%mul3A_2, %dma_wait3A_128] : memref<819200x32xf32, #tpu.memory_space<hbm>> -> memref<400x32xf32, #tpu.memory_space<hbm>>
    %dma_wait3A_130 = arith.constant 0 : i32
    %dma_wait3A_131 = arith.constant 0 : i32
    %dma_wait3A_132 = tpu.memref_slice %arg6[%dma_wait3A_118, %dma_wait3A_130, %dma_wait3A_131] : memref<8x400x32xf32, #tpu.memory_space<vmem>> -> memref<1x400x32xf32, #tpu.memory_space<vmem>>
    %dma_wait3A_133 = tpu.memref_squeeze %dma_wait3A_132 : memref<1x400x32xf32, #tpu.memory_space<vmem>> -> memref<400x32xf32, #tpu.memory_space<vmem>>
    tpu.wait_dma2 semaphore(%dma_wait3A_127 : memref<!tpu.dma_semaphore, #tpu.memory_space<semaphore_mem>>) src(%dma_wait3A_133 : memref<400x32xf32, #tpu.memory_space<vmem>>) dst(%dma_wait3A_129 : memref<400x32xf32, #tpu.memory_space<hbm>>)
    return
  }
}

</mosaic_0001>

<sc_bundles>
// kernel: sparse-core-data-format-call.cloned.1.call-start
scs
called_computation_lowered:
.L_overlay_start_0:
0x0: {  	s2 =	sld [smem:$0x3FD9]  }
0x1: {  	s3 =	sld [smem:$0x3FFE];
	_ =	sdelay $0x1  }
0x2: {  	s1 =	srdreg.scid  }
0x3: {  	s0 =	sand.u32 $0x1, s1  }
0x4: {  	s18 =	sshll.u32 s0, $0xA;
	s2 =	sadd.s32 s3, s2  }
0x5: {  	s2 =	sadd.s32 s2, s18  }
0x6: {  	[smem:$0x3FC6] =	sst s2  }
0x7: {  	_ = 	snop  }
0x8: {  	s2 =	sld [smem:$0x3FD0];
	(tm) =	ssettm $0x1  }
0x9: {  	s19 =	sld [smem:$0x3FFB];
	_ =	sdelay $0x3  }
0xa: {  	_ =	strace s19  }
0xb: {  	s3 =	sld [smem:$0x3FFC];
	_ =	sdelay $0x3  }
0xc: {  	_ =	strace s3  }
0xd: {  	s3 =	sld [smem:$0x3FFD];
	_ =	sdelay $0x3  }
0xe: {  	_ =	strace s3  }
0xf: {  	_ =	strace $0x8FFFFFFF  }
0x10: {  	s20 =	sld [smem:$0x3FDB];
	_ =	sdelay $0x1  }
0x11: {  	s4 =	simm.s32 $_scs_section_size  }
0x12: {  	s5 =	simm.s32 $_size__tile_overlayer_lowered;
	s6 =	simm.s32 $_tile_overlayer_lowered  }
0x13: {  	s23 =	simm.s32 $0x1BFF;
	s22 =	sshll.u32 s6, $0x1;
	s3 =	sadd.s32 s4, s20  }
0x14: {  	s7 =	simm.s32 $0x0;
	s21 =	sshll.u32 s5, $0x1;
	s5 =	sadd.s32 s22, s3  }
0x15: {  	[timem:s7], [sflag:s23] =	dma.local [hbm:s5], s21  }
0x16: {  	_ =	swait.ge [sflag:s23], s21  }
0x17: {  	s4 =	ssub.s32 $0x0, s21;
	[sflag:s23] =	ssyncset.done $0x0  }
0x18: {  	[sflag:s23] =	ssyncadd.s32 s4;
	_ =	sdelay $0x1  }
0x19: {  	s24 =	simm.s32 $0x1B8B  }
0x1a: {  	_ =	swait.ge [sflag:s24], $0x1  }
0x1b: {  	[sflag:s24] =	ssyncset.done $0x0  }
0x1c: {  	s26 =	simm.s32 $0x1B8E;
	s25 =	sld [smem:$0x3FFE];
	[sflag:s24] =	ssyncadd.s32 $0xFFFFFFFF  }
0x1d: {  	s27 =	simm.s32 $execute0_lowered;
	[smem:$0x3FD2] =	sst s26  }
0x1e: {  	s5 =	sshll.u32 s27, $0x1;
	_ =	strace $0x80000049;
	[dreg:$0x1] =	wrdreg $0xFFFFFFFF  }
0x1f: {  	s28 =	simm.s32 $_size_execute0_lowered;
	s3 =	sadd.s32 s3, s5;
	[dreg:$0x0] =	wrdreg $0x0  }
0x20: {  	s5 =	sshll.u32 s28, $0x1;
	[dreg:$0x2] =	wrdreg s3  }
0x21: {  	[dreg:$0x3] =	wrdreg s5  }
0x22: {  	[dreg:$0x4] =	wrdreg $0xC0  }
0x23: {  	_ =	task [dreg:s7], $0x5FFFF  }
0x24: {  	[dreg:$0x1] =	wrdreg $0xFFFFFFFF  }
0x25: {  	[dreg:$0x0] =	wrdreg $0x60  }
0x26: {  	[dreg:$0x2] =	wrdreg s25  }
0x27: {  	[dreg:$0x3] =	wrdreg s2  }
0x28: {  	[dreg:$0x4] =	wrdreg $0x9  }
0x29: {  	_ =	task.clear_ibuf [dreg:s7], $0x5FFFF;
	_ =	strace $0x90000049  }
0x2a: {  	s29 =	simm.s32 $0x9;
	_ =	strace $0x8000004B  }
0x2b: {  	_ =	swait.ge [sflag:s29], $0x1  }
0x2c: {  	[sflag:s29] =	ssyncadd.s32 $0xFFFFFFFF  }
0x2d: {  	_ =	strace $0x9000004B  }
0x2e: {  	_ =	sfence  }
0x2f: {  	s30 =	sld [smem:$0x0];
	_ =	sdelay $0x2  }
0x30: {  	s31 =	sshll.u32 s1, $0xD;
	s1 =	sshrl.u32 s1, $0x2  }
0x31: {  	s3 =	sand.u32 $0x4000, s31;
	s1 =	sadd.s32 s1, s30  }
0x32: {  	s0 =	sor.u32 s3, s0;
	s1 =	sshll.u32 s1, $0x11  }
0x33: {  	s0 =	sor.u32 s1, s0  }
0x34: {  	s0 =	sadd.s32 $0x8F2B, s0  }
0x35: {  	[sflag:s0] =	ssyncadd.remote.s32 $0x1  }
0x36: {  	_ =	sfence.sel $0xFFFF  }
0x37: {  	[dreg:$0x0] =	wrdreg $0xFFFFFFFF;
	(pc) =	sbr.abs _section_cstart, $3  }
0x38: {  	[dreg:$0x1] =	wrdreg $0xFFFFFFFF  }
0x39: {  	_ =	task.clear_ibuf [dreg:s7], $0x2FFFF;
	_ =	strace $0x9FFFFFFF  }
0x3a: {  	(tm) =	ssettm $0x7FFFFFFF  }
0x3b: {  	_ =	shalt  }
tec
execute0_lowered:
.L_overlay_start_1:
0x0: {  	(tag) =	ssettag $0x1  }
0x1: {  	s0 =	srdreg.scid  }
0x2: {  	s1 =	sshll.u32 s0, $0x4  }
0x3: {  	s4 =	rddreg [dreg:$0x0];
	s0 =	stileid.u32;
	s1 =	sand.u32 $0x10, s1  }
0x4: {  	s2 =	rddreg [dreg:$0x1];
	s7 =	simm.s32 $0x1;
	s1 =	sor.u32 s0, s1  }
0x5: {  	s8 =	simm.s32 $0x2;
	s11 =	simm.s32 $0x0;
	s3 =	sshll.u32 s1, $0x7  }
0x6: {  	s10 =	simm.s32 $0x0;
	s4 =	sadd.s32 $0x800, s4;
	s6 =	ssub.s32 $0xC8000, s3  }
.Ltmp0:
0x7: {  	s1 =	rddreg [dreg:$0x2];
	s5 =	sand.u32 $0xF80, s6;
	(pc) =	sbr.rel .LBB1_1-.Ltmp0, $4  }
0x8: {  	_ =	strace $0x8000004A;
	s9 =	smov.u32 s3;
	p0 =	sne.s32 s5, $0x0  }
0x9: {  	s6 =	sshrl.u32 s6, $0xC;
	s5 =	simm.s32 $0x1;
	s7 =	simm.s32 @!p0 $0x0  }
0xa: {  	[sflag:s5] =	ssyncpa.u1 $0x0;
	p0 =	por $0x0, $0x0;
	s6 =	sadd.s32 s7, s6  }
0xb: {  	[sflag:s8] =	ssyncpa.u1 $0x0;
	s8 =	simm.s32 $0x640000;
	s7 =	sadd.s32 $0x1, s6  }
.LBB1_4:
0xc: {  	s14 =	sshll.u32 s11, $0x3  }
0xd: {  	s30 =	sand.u32 $0x7F, s11;
	s15 =	sand.u32 $0xFFFFFC00, s14  }
0xe: {  	s11 =	sor.u32 s30, s15  }
0xf: {  	s15 =	smulhi.u32 $0x51EB851F, s11  }
0x10: {  	s14 =	smulhi.u32 $0x51EB851F, s14  }
0x11: {  	s15 =	sshrl.u32 s15, $0x12  }
0x12: {  	s14 =	sshrl.u32 s14, $0x12;
	s15 =	smul.u32 $0xC8000, s15  }
0x13: {  	s14 =	sand.u32 $0x1F, s14  }
0x14: {  	s14 =	smul.u32 $0x19000, s14;
	s11 =	ssub.s32 s11, s15  }
0x15: {  	s15 =	sand.u32 $0x7, s11  }
0x16: {  	s14 =	sadd.s32 s2, s14;
	s11 =	sshrl.u32 s11, $0x3;
	s15 =	sshll.u32 s15, $0x12  }
0x17: {  	[tilespmem:s13+$0x0 ss:$0x81] =	vst.msk $0xffff, v0;
	s11 =	sadd.s32 s11, s14;
	s31 =	sor.u32 $0x400, s15  }
0x18: {  	[hbm4b:s11+s31] =	stream.strided.scatter [tilespmem:s12], [sflag:$0x2], $0x1000, s8, s31, $0x20;
	[tilespmem:$0x4040] =	vst v63  }
.LBB1_5:
0x19: {  	s13 =	sadd.s32 $0x1000, s9  }
0x1a: {  	p2 =	sgt.s32 s13, $0xC7FFF  }
0x1b: {  	s13 =	smov.u32 @p2 s3;
	p2 =	sne.s32 s10, s7  }
.Ltmp1:
0x1c: {  	p1 =	slt.u32 s10, $0x2;
	(pc) =	sbr.rel @!p2 .LBB1_6-.Ltmp1, $4  }
0x1d: {  	s12 =	simm.s32 @!p1 $0x2  }
0x1e: {  	s14 =	sadd.s32 $0x1, s10;
	_ =	swait.ge @!p1 [sflag:s12], $0x1000  }
0x1f: {  	s11 =	smov.u32 s9;
	p0 =	por !p0, !p0;
	[sflag:s12] =	ssyncset.done @!p1 $0x0  }
0x20: {  	s10 =	smov.u32 s14;
	s9 =	smov.u32 s13;
	[sflag:s12] =	ssyncadd.s32 @!p1 $0xFFFFF000  }
.LBB1_1:
0x21: {  	p1 =	sge.u32 s10, s6  }
0x22: {  	s12 =	sand.u32 @!p1 $0x1FFFFFF, s9  }
0x23: {  	s13 =	smulhi.u32 @!p1 $0x147AE15, s12;
	_ =	sdelay $0x1  }
0x24: {  	s13 =	sshrl.u32 @!p1 s13, $0xC  }
0x25: {  	s13 =	smul.u32 @!p1 $0xC8000, s13;
	_ =	sdelay $0x1  }
0x26: {  	s31 =	sadd.s32 $0xFFFFFFFF, s10;
	s14 =	sxor.u32 @!p1 $0xFFFFFFFF, s10;
	s12 =	ssub.s32 @!p1 s12, s13  }
0x27: {  	s15 =	simm.s32 @!p1 $0x80;
	s14 =	sshll.u32 @!p1 s14, $0xC;
	s12 =	sshll.u32 @!p1 s12, $0x4  }
0x28: {  	s13 =	sand.u32 @!p1 $0x1000, s14;
	s14 =	simm.s32 @!p1 $0x20;
	s12 =	sadd.s32 @!p1 s4, s12  }
0x29: {  	[tilespmem:s13], [sflag:$0x1] =	stream.strided.gather @!p1 [hbm4b:s12+s14], $0x1000, s15, s14, $0x38;
	[tilespmem:$0x4040] =	vst v63  }
0x2a: {  	p1 =	sge.u32 s31, s6  }
.Ltmp2:
0x2b: {  	_ = 	snop;
	(pc) =	sbr.rel @p1 .LBB1_5-.Ltmp2, $1  }
0x2c: {  	_ =	sdelay $0x3  }
0x2d: {  	s12 =	simm.s32 $0x1  }
0x2e: {  	_ =	swait.ge [sflag:s5], $0x1000;
	s12 =	simm.s32 @!p0 $0x0  }
0x2f: {  	[sflag:s5] =	ssyncset.done $0x0;
	s13 =	sshll.u32 s12, $0xC  }
0x30: {  	[sflag:s5] =	ssyncadd.s32 $0xFFFFF000;
	s16 =	sor.u32 $0x10, s13  }
0x31: {  	s12 =	smul.u32 $0x4080, s12;
	v1 =	vld [tilespmem:s16+$0x0]  }
0x32: {  	s30 =	sand.u32 $0x1, s10;
	v0 =	vld [tilespmem:s16+$0xFFFFFFF0]  }
0x33: {  	s13 =	smul.u32 $0x4080, s30;
	s12 =	sshrl.u32 s12, $0x2  }
0x34: {  	s14 =	sor.u32 $0x2000, s12  }
0x35: {  	s31 =	sshrl.u32 s13, $0x2;
	s13 =	sadd.s32 $0x0, s14  }
0x36: {  	s15 =	simm.s32 $0x4;
	s16 =	sadd.s32 $0x20, s16;
	s12 =	sor.u32 $0x2000, s31;
	[tilespmem:s13+$0x810 ss:$0x81] =	vst.msk $0xffff, v1  }
.LBB1_3:
0x37: {  	v1 =	vld [tilespmem:s16+$0x0];
	p1 =	sne.s32 s15, $0x1FC;
	[tilespmem:s13+$0x0 ss:$0x81] =	vst.msk $0xffff, v0;
	s13 =	smov.u32 s15;
	s15 =	sadd.s32 $0x4, s15  }
.Ltmp3:
0x38: {  	v0 =	vld [tilespmem:s16+$0xFFFFFFF0];
	(pc) =	sbr.rel @p1 .LBB1_3-.Ltmp3, $4  }
0x39: {  	_ = 	snop  }
0x3a: {  	s13 =	sshra.s32 s13, $0x2  }
0x3b: {  	s13 =	sadd.s32 s13, s14  }
0x3c: {  	s16 =	sadd.s32 $0x20, s16;
	[tilespmem:s13+$0x810 ss:$0x81] =	vst.msk $0xffff, v1  }
.Ltmp4:
0x3d: {  	_ = 	snop;
	(pc) =	sbr.rel .LBB1_4-.Ltmp4, $1  }
0x3e: {  	_ =	sdelay $0x3  }
.LBB1_6:
0x3f: {  	_ =	sfence.sel $0x180000  }
0x40: {  	s2 =	simm.s32 $0x1;
	[bflag:$0x0] =	sbarrier.arrive $0xFFFF  }
0x41: {  	s31 =	simm.s32 $0x2;
	[sflag:s2] =	ssyncpa.u1 $0x1  }
0x42: {  	[sflag:s31] =	ssyncpa.u1 $0x1  }
0x43: {  	p0 =	sne.s32 s0, $0x0;
	_ =	strace $0x9000004A  }
0x44: {  	s0 =	sadd.s32 @!p0 $0x100000, s1;
	[bflag:$0x2] =	sbarrier.arrive $0xFFFF  }
0x45: {  	[sflag:s0] =	ssyncadd.tile.s32 @!p0 $0x1;
	_ =	shalt  }
.Lfunc_end1:
_tile_overlayer_lowered:
.L_overlay_start_2:
0x46: {  	(tag) =	ssettag $0x2  }
0x47: {  	s0 =	rddreg [dreg:$0x0];
	s2 =	stileid.u32  }
0x48: {  	s1 =	rddreg [dreg:$0x1];
	p0 =	sne.s32 s2, $0x0  }
0x49: {  	s3 =	rddreg [dreg:$0x2];
	[bflag:$0x3] =	sbarrier.arrive $0xFFFF;
	s2 =	simm.s32 @!p0 $0x1C01  }
0x4a: {  	[timem:s3], [sflag:s2] =	dma.local @!p0 [hbm:s0], s1  }
0x4b: {  	s0 =	simm.s32 @!p0 $0x1  }
0x4c: {  	_ =	swait.ge @!p0 [sflag:s0], s1  }
0x4d: {  	s1 =	ssub.s32 @!p0 $0x0, s1;
	[sflag:s0] =	ssyncset.done @!p0 $0x0  }
0x4e: {  	[sflag:s0] =	ssyncadd.s32 @!p0 s1  }
0x4f: {  	[bflag:$0x3] =	sbarrier.arrive $0xFFFF  }
0x50: {  	_ =	shalt  }

// kernel: wrapper.3.cloned.1.call-start
scs
__scs_entry_jumppad:
0x0: {  	(pc) =	sbr.rel $0x88, $3  }
0x1: {  	(tag) =	ssettag $0x0;
	lr =	simm.s32 $0x1  }
0x2: {  	[smem:$0x3F9F] =	sst lr;
	_ =	strace $0xD0000000  }
0x3: {  	_ = 	snop  }
0x4: {  	_ = 	snop  }
0x5: {  	_ = 	snop  }
0x6: {  	_ = 	snop  }
0x7: {  	_ = 	snop  }
__scs_overlays_trampoline_lowered:
0x8: {  	[smem:$0x3FAE] =	sst s0  }
0x9: {  	[smem:$0x3FAF] =	sst s1  }
0xa: {  	[smem:$0x3FB0] =	sst s2  }
0xb: {  	[smem:$0x3FB1] =	sst s3  }
0xc: {  	[smem:$0x3FB2] =	sst s4  }
0xd: {  	[smem:$0x3FB3] =	sst s5  }
0xe: {  	[smem:$0x3FB4] =	sst s6  }
0xf: {  	[smem:$0x3FB5] =	sst s7  }
0x10: {  	[smem:$0x3FB6] =	sst s8  }
0x11: {  	[smem:$0x3FB7] =	sst s9;
	s0 =	simm.s32 @!p0 $0x0  }
0x12: {  	s1 =	sld [smem:$0x3F9D];
	s0 =	simm.s32 @p0 $0x1  }
0x13: {  	[smem:$0x3FB8] =	sst s0;
	s0 =	simm.s32 @!p1 $0x0  }
0x14: {  	s2 =	sld [smem:$0x3F9C];
	s0 =	simm.s32 @p1 $0x1  }
0x15: {  	[smem:$0x3FB9] =	sst s0;
	s0 =	simm.s32 @!p2 $0x0  }
0x16: {  	s3 =	sld [smem:$0x3FDB];
	s0 =	simm.s32 @p2 $0x1  }
0x17: {  	s4 =	simm.s32 $0x1BF5;
	[smem:$0x3FBB] =	sst s0  }
0x18: {  	s0 =	sld [smem:$0x3F9E];
	_ =	swait.ge [sflag:s4], $0x0  }
0x19: {  	s7 =	sld [smem:$0x3F9F]  }
0x1a: {  	s8 =	sadd.s32 $0xFFFFE003, lr  }
0x1b: {  	s9 =	sadd.s32 $0xFFFFFEF7, lr;
	s5 =	simm.s32 $0xFFFFFFFF;
	p2 =	slt.u32 s8, $0xFFFFF086  }
0x1c: {  	p1 =	slt.u32 s9, $0xF7A;
	s5 =	simm.s32 @!p2 $0x0  }
0x1d: {  	s5 =	simm.s32 @p1 $0x1;
	p0 =	seq.s32 s7, s2  }
0x1e: {  	s7 =	smul.u32 @!p0 $0xF7A, s2;
	p2 =	seq.s32 @!p0 s5, $0x0  }
0x1f: {  	s9 =	smul.u32 $0xF7A, s1;
	s8 =	simm.s32 @!p0 $0x1BF5;
	p2 =	por !p2, p0  }
0x20: {  	[sflag:s8] =	ssyncset.s32 @!p0 $0xFFFFF086;
	s6 =	sadd.s32 @!p0 s3, s7;
	s7 =	simm.s32 @!p0 $0x108  }
0x21: {  	s3 =	sadd.s32 s3, s9;
	s6 =	sadd.s32 @!p0 $0x88, s6;
	s7 =	simm.s32 @p2 $0x1082  }
0x22: {  	[simem:s7], [sflag:s8] =	dma.local @!p0 [hbm:s6], $0xF7A  }
0x23: {  	s9 =	sor.u32 $0xD0000000, s2;
	s6 =	simm.s32 $0x108;
	_ =	swait.ge @!p0 [sflag:s8], $0x0  }
0x24: {  	s3 =	sadd.s32 $0x88, s3;
	s6 =	simm.s32 @!p1 $0x1082;
	[sflag:s4] =	ssyncset.s32 $0xFFFFF086  }
0x25: {  	[simem:s6], [sflag:s4] =	dma.local [hbm:s3], $0xF7A  }
0x26: {  	[smem:$0x3F9F] =	sst s1;
	(tag) =	ssettag s2;
	_ =	strace s9  }
0x27: {  	s1 =	sld [smem:$0x3FAF]  }
0x28: {  	s2 =	sld [smem:$0x3FB0]  }
0x29: {  	s4 =	sld [smem:$0x3FB2]  }
0x2a: {  	p0 =	seq.s32 s5, $0x0;
	s5 =	sld [smem:$0x3FB3]  }
0x2b: {  	s6 =	sld [smem:$0x3FB4]  }
0x2c: {  	s7 =	sld [smem:$0x3FB5]  }
0x2d: {  	s3 =	simm.s32 $0x108;
	s8 =	sld [smem:$0x3FB6]  }
0x2e: {  	s3 =	simm.s32 @!p0 $0x1082;
	s9 =	sld [smem:$0x3FB7]  }
0x2f: {  	lr =	sadd.s32 s0, s3;
	s0 =	sld [smem:$0x3FAE]  }
0x30: {  	s3 =	sld [smem:$0x3FB1]  }
0x31: {  	[smem:$0x3FBA] =	sst s10  }
0x32: {  	s10 =	sld [smem:$0x3FB8];
	_ =	sdelay $0x3  }
0x33: {  	p0 =	seq.s32 s10, $0x1;
	s10 =	sld [smem:$0x3FBA];
	_ =	sdelay $0x3  }
0x34: {  	[smem:$0x3FBA] =	sst s10  }
0x35: {  	s10 =	sld [smem:$0x3FB9];
	_ =	sdelay $0x3  }
0x36: {  	p1 =	seq.s32 s10, $0x1;
	s10 =	sld [smem:$0x3FBA];
	_ =	sdelay $0x3  }
0x37: {  	[smem:$0x3FBA] =	sst s10  }
0x38: {  	s10 =	sld [smem:$0x3FBB]  }
0x39: {  	_ = 	snop;
	(pc) =	sbr.ind lr, $3  }
0x3a: {  	_ = 	snop  }
0x3b: {  	_ = 	snop  }
0x3c: {  	p2 =	seq.s32 s10, $0x1;
	s10 =	sld [smem:$0x3FBA]  }
0x3d: {  	_ =	shalt  }
0x3e: {  	_ =	shalt  }
0x3f: {  	_ =	shalt  }
0x40: {  	_ =	shalt  }
0x41: {  	_ =	shalt  }
0x42: {  	_ =	shalt  }
0x43: {  	_ =	shalt  }
0x44: {  	_ =	shalt  }
0x45: {  	_ =	shalt  }
0x46: {  	_ =	shalt  }
0x47: {  	_ =	shalt  }
0x48: {  	_ =	shalt  }
0x49: {  	_ =	shalt  }
0x4a: {  	_ =	shalt  }
0x4b: {  	_ =	shalt  }
0x4c: {  	_ =	shalt  }
0x4d: {  	_ =	shalt  }
0x4e: {  	_ =	shalt  }
0x4f: {  	_ =	shalt  }
0x50: {  	_ =	shalt  }
0x51: {  	_ =	shalt  }
0x52: {  	_ =	shalt  }
0x53: {  	_ =	shalt  }
0x54: {  	_ =	shalt  }
0x55: {  	_ =	shalt  }
0x56: {  	_ =	shalt  }
0x57: {  	_ =	shalt  }
0x58: {  	_ =	shalt  }
0x59: {  	_ =	shalt  }
0x5a: {  	_ =	shalt  }
0x5b: {  	_ =	shalt  }
0x5c: {  	_ =	shalt  }
0x5d: {  	_ =	shalt  }
0x5e: {  	_ =	shalt  }
0x5f: {  	_ =	shalt  }
0x60: {  	_ =	shalt  }
0x61: {  	_ =	shalt  }
0x62: {  	_ =	shalt  }
0x63: {  	_ =	shalt  }
0x64: {  	_ =	shalt  }
0x65: {  	_ =	shalt  }
0x66: {  	_ =	shalt  }
0x67: {  	_ =	shalt  }
0x68: {  	_ =	shalt  }
0x69: {  	_ =	shalt  }
0x6a: {  	_ =	shalt  }
0x6b: {  	_ =	shalt  }
0x6c: {  	_ =	shalt  }
0x6d: {  	_ =	shalt  }
0x6e: {  	_ =	shalt  }
0x6f: {  	_ =	shalt  }
0x70: {  	_ =	shalt  }
0x71: {  	_ =	shalt  }
0x72: {  	_ =	shalt  }
0x73: {  	_ =	shalt  }
0x74: {  	_ =	shalt  }
0x75: {  	_ =	shalt  }
0x76: {  	_ =	shalt  }
0x77: {  	_ =	shalt  }
0x78: {  	_ =	shalt  }
0x79: {  	_ =	shalt  }
0x7a: {  	_ =	shalt  }
0x7b: {  	_ =	shalt  }
0x7c: {  	_ =	shalt  }
0x7d: {  	_ =	shalt  }
0x7e: {  	_ =	shalt  }
0x7f: {  	_ =	shalt  }
0x80: {  	_ =	shalt  }
0x81: {  	_ =	shalt  }
0x82: {  	_ =	shalt  }
0x83: {  	_ =	shalt  }
0x84: {  	_ =	shalt  }
0x85: {  	_ =	shalt  }
0x86: {  	_ =	shalt  }
0x87: {  	_ =	shalt  }
.Lfunc_end0:
.L_simem_size_0:
called_computation.1_lowered:
.L_overlay_start_0:
0x88: {  	s2 =	sld [smem:$0x3FD9]  }
0x89: {  	s3 =	sld [smem:$0x3FFE];
	_ =	sdelay $0x1  }
0x8a: {  	s1 =	srdreg.scid  }
0x8b: {  	s0 =	sand.u32 $0x1, s1  }
0x8c: {  	s17 =	sshll.u32 s0, $0xA;
	s2 =	sadd.s32 s3, s2  }
0x8d: {  	s2 =	sadd.s32 s2, s17  }
0x8e: {  	[smem:$0x3FC6] =	sst s2  }
0x8f: {  	_ = 	snop  }
0x90: {  	s2 =	sld [smem:$0x3FC9]  }
0x91: {  	s18 =	sld [smem:$0x3FD0];
	(tm) =	ssettm $0x1  }
0x92: {  	s4 =	sld [smem:$0x3FFB];
	_ =	sdelay $0x3  }
0x93: {  	_ =	strace s4  }
0x94: {  	s4 =	sld [smem:$0x3FFC];
	_ =	sdelay $0x3  }
0x95: {  	_ =	strace s4  }
0x96: {  	s4 =	sld [smem:$0x3FFD];
	_ =	sdelay $0x3  }
0x97: {  	_ =	strace s4  }
0x98: {  	_ =	strace $0x8FFFFFFF  }
0x99: {  	s19 =	sld [smem:$0x3FDB];
	_ =	sdelay $0x1  }
0x9a: {  	s5 =	simm.s32 $_scs_section_size  }
0x9b: {  	s6 =	simm.s32 $_size__tile_overlayer_lowered;
	s7 =	simm.s32 $_tile_overlayer_lowered  }
0x9c: {  	s22 =	simm.s32 $0x1BFF;
	s21 =	sshll.u32 s7, $0x1;
	s4 =	sadd.s32 s5, s19  }
0x9d: {  	s8 =	simm.s32 $0x0;
	s20 =	sshll.u32 s6, $0x1;
	s6 =	sadd.s32 s21, s4  }
0x9e: {  	[timem:s8], [sflag:s22] =	dma.local [hbm:s6], s20  }
0x9f: {  	_ =	swait.ge [sflag:s22], s20  }
0xa0: {  	s5 =	ssub.s32 $0x0, s20;
	[sflag:s22] =	ssyncset.done $0x0  }
0xa1: {  	[sflag:s22] =	ssyncadd.s32 s5;
	_ =	sdelay $0x1  }
0xa2: {  	s23 =	simm.s32 $0x1B8B  }
0xa3: {  	_ =	swait.ge [sflag:s23], $0x1  }
0xa4: {  	[sflag:s23] =	ssyncset.done $0x0  }
0xa5: {  	s25 =	simm.s32 $0x1B8E;
	s24 =	sld [smem:$0x3FFE];
	[sflag:s23] =	ssyncadd.s32 $0xFFFFFFFF  }
0xa6: {  	s26 =	simm.s32 $execute0_lowered;
	[smem:$0x3FD2] =	sst s25  }
0xa7: {  	s6 =	sshll.u32 s26, $0x1;
	_ =	strace $0x80000046;
	[dreg:$0x1] =	wrdreg $0xFFFFFFFF  }
0xa8: {  	s28 =	simm.s32 $_size_execute0_lowered;
	s4 =	sadd.s32 s4, s6;
	[dreg:$0x0] =	wrdreg $0x0  }
0xa9: {  	s6 =	sshll.u32 s28, $0x1;
	[dreg:$0x2] =	wrdreg s4  }
0xaa: {  	[dreg:$0x3] =	wrdreg s6  }
0xab: {  	[dreg:$0x4] =	wrdreg $0xC0  }
0xac: {  	_ =	task [dreg:s8], $0x5FFFF  }
0xad: {  	[dreg:$0x1] =	wrdreg $0xFFFFFFFF  }
0xae: {  	[dreg:$0x0] =	wrdreg $0x60  }
0xaf: {  	[dreg:$0x2] =	wrdreg s2  }
0xb0: {  	[dreg:$0x3] =	wrdreg s24  }
0xb1: {  	[dreg:$0x4] =	wrdreg s18  }
0xb2: {  	[dreg:$0x5] =	wrdreg $0x9  }
0xb3: {  	_ =	task.clear_ibuf [dreg:s8], $0x6FFFF;
	_ =	strace $0x90000046  }
0xb4: {  	s29 =	simm.s32 $0x9;
	_ =	strace $0x80000048  }
0xb5: {  	_ =	swait.ge [sflag:s29], $0x1  }
0xb6: {  	[sflag:s29] =	ssyncadd.s32 $0xFFFFFFFF  }
0xb7: {  	_ =	strace $0x90000048  }
0xb8: {  	_ =	sfence  }
0xb9: {  	s30 =	sld [smem:$0x0];
	_ =	sdelay $0x2  }
0xba: {  	s31 =	sshll.u32 s1, $0xD;
	s1 =	sshrl.u32 s1, $0x2  }
0xbb: {  	s3 =	sand.u32 $0x4000, s31;
	s1 =	sadd.s32 s1, s30  }
0xbc: {  	s0 =	sor.u32 s3, s0;
	s1 =	sshll.u32 s1, $0x11  }
0xbd: {  	s0 =	sor.u32 s1, s0  }
0xbe: {  	s0 =	sadd.s32 $0x8F2B, s0  }
0xbf: {  	[sflag:s0] =	ssyncadd.remote.s32 $0x1  }
0xc0: {  	_ =	sfence.sel $0xFFFF  }
0xc1: {  	[dreg:$0x0] =	wrdreg $0xFFFFFFFF;
	(pc) =	sbr.abs _section_cstart, $3  }
0xc2: {  	[dreg:$0x1] =	wrdreg $0xFFFFFFFF  }
0xc3: {  	_ =	task.clear_ibuf [dreg:s8], $0x2FFFF;
	_ =	strace $0x9FFFFFFF  }
0xc4: {  	(tm) =	ssettm $0x7FFFFFFF  }
0xc5: {  	_ =	shalt  }
tec
execute0_lowered:
.L_overlay_start_1:
0x0: {  	(tag) =	ssettag $0x1  }
0x1: {  	s0 =	srdreg.scid;
	s2 =	stileid.u32  }
0x2: {  	s0 =	sand.u32 $0x1, s0;
	s1 =	smul.u32 $0xC800, s2  }
0x3: {  	s4 =	rddreg [dreg:$0x1];
	s3 =	smul.u32 $0x6400, s0  }
0x4: {  	s5 =	rddreg [dreg:$0x2];
	s4 =	sadd.s32 $0xF42C00, s4;
	s24 =	ssub.s32 $0x2, s0  }
0x5: {  	s0 =	smul.u32 $0x19000, s0;
	s1 =	sadd.s32 s3, s1;
	s3 =	simm.s32 $0x0  }
0x6: {  	s28 =	sshrl.u32 s24, $0x1;
	s6 =	sadd.s32 $0x640, s1;
	[smem:$0x7FF] =	sst s3  }
0x7: {  	s8 =	sadd.s32 $0x7D0, s1;
	s31 =	sadd.s32 $0x960, s1;
	s12 =	sadd.s32 $0xAF0, s1  }
0x8: {  	s16 =	sadd.s32 $0x4B0, s1;
	s20 =	sor.u32 $0x320, s1;
	s25 =	sor.u32 $0x190, s1  }
0x9: {  	s7 =	sshll.u32 s6, $0x2;
	_ =	strace $0x80000047;
	s6 =	sshrl.u32 s6, $0x3  }
0xa: {  	s29 =	sshll.u32 s8, $0x2;
	s9 =	sshrl.u32 s8, $0x3;
	s10 =	sshll.u32 s31, $0x2  }
0xb: {  	s13 =	sshrl.u32 s31, $0x3;
	s14 =	sshll.u32 s12, $0x2;
	s17 =	sshrl.u32 s12, $0x3  }
0xc: {  	s18 =	sshll.u32 s16, $0x2;
	s21 =	sshrl.u32 s16, $0x3;
	s22 =	sshll.u32 s20, $0x2  }
0xd: {  	s8 =	sshrl.u32 s20, $0x3;
	s12 =	simm.s32 $0x7080;
	[dreg:$0x5] =	wrdreg s6  }
0xe: {  	s16 =	simm.s32 $0x7D0;
	s20 =	simm.s32 $0xD480;
	[dreg:$0x7] =	wrdreg s9  }
0xf: {  	s7 =	sadd.s32 s7, s5;
	s30 =	sadd.s32 s29, s5;
	[dreg:$0x9] =	wrdreg s13  }
0x10: {  	s11 =	sadd.s32 s10, s5;
	s15 =	sadd.s32 s14, s5;
	[dreg:$0xb] =	wrdreg s17  }
0x11: {  	s19 =	sadd.s32 s18, s5;
	[dreg:$0xd] =	wrdreg s21;
	s23 =	sadd.s32 s22, s5  }
0x12: {  	s9 =	sshll.u32 s25, $0x2;
	s10 =	smul.u32 $0x32000, s2;
	[dreg:$0xf] =	wrdreg s8  }
0x13: {  	s6 =	sshrl.u32 s25, $0x3;
	s29 =	ssub.s32 s24, s28;
	[dreg:$0x4] =	wrdreg s7  }
0x14: {  	s8 =	simm.s32 $0x4B0;
	s13 =	simm.s32 $0xA280;
	[dreg:$0x6] =	wrdreg s30  }
0x15: {  	s14 =	simm.s32 $0x3;
	s17 =	simm.s32 $0x960;
	[dreg:$0x8] =	wrdreg s11  }
0x16: {  	s18 =	simm.s32 $0xAF0;
	s21 =	simm.s32 $0x10680;
	[dreg:$0xa] =	wrdreg s15  }
0x17: {  	s22 =	simm.s32 $0x13880;
	s24 =	simm.s32 $0x4;
	[dreg:$0xc] =	wrdreg s19  }
0x18: {  	s25 =	simm.s32 $0x5;
	[dreg:$0xe] =	wrdreg s23;
	s26 =	sadd.s32 s9, s5  }
0x19: {  	[dreg:$0x11] =	wrdreg s6;
	s30 =	sshrl.u32 s1, $0x3;
	s31 =	smax.u32 s29, $0x1  }
0x1a: {  	s6 =	simm.s32 $0x190;
	s7 =	simm.s32 $0x320;
	s9 =	simm.s32 $0x1  }
0x1b: {  	s11 =	simm.s32 $0x3E80;
	s15 =	simm.s32 $0x640;
	[dreg:$0x10] =	wrdreg s26  }
0x1c: {  	s19 =	simm.s32 $0x2;
	s5 =	sadd.s32 s10, s5;
	[dreg:$0x14] =	wrdreg s31  }
0x1d: {  	s23 =	simm.s32 $0x16A80;
	[dreg:$0x13] =	wrdreg s30;
	s0 =	sadd.s32 s0, s5  }
0x1e: {  	s10 =	simm.s32 $0xC80;
	s26 =	simm.s32 $0x0;
	[dreg:$0x12] =	wrdreg s0  }
.LBB2_1:
0x1f: {  	s0 =	rddreg [dreg:$0x13]  }
0x20: {  	s29 =	rddreg [dreg:$0x0]  }
0x21: {  	s1 =	rddreg [dreg:$0x11];
	s0 =	sadd.s32 s29, s0  }
0x22: {  	[tilespmem:s3], [sflag:$0x1] =	stream.linear.gather [hbm4b:s0+s3], $0x190, $0x38;
	[tilespmem:$0x19C80] =	vst v63  }
0x23: {  	s28 =	rddreg [dreg:$0xf];
	s2 =	sadd.s32 s29, s1  }
0x24: {  	[tilespmem:s6], [sflag:$0x1] =	stream.linear.gather [hbm4b:s2+s3], $0x190, $0x38;
	[tilespmem:$0x19C80] =	vst v63  }
0x25: {  	s5 =	rddreg [dreg:$0xd];
	p0 =	por $0x1, $0x1;
	s31 =	sadd.s32 s29, s28  }
0x26: {  	[tilespmem:s7], [sflag:$0x1] =	stream.linear.gather [hbm4b:s31+s3], $0x190, $0x38;
	[tilespmem:$0x19C80] =	vst v63  }
0x27: {  	s0 =	simm.s32 @!p0 $0x4;
	s2 =	sadd.s32 s29, s5  }
0x28: {  	[tilespmem:s8], [sflag:$0x1] =	stream.linear.gather [hbm4b:s2+s3], $0x190, $0x38;
	[tilespmem:$0x19C80] =	vst v63  }
0x29: {  	_ =	swait.ge @!p0 [sflag:s0], $0x3200  }
0x2a: {  	[sflag:s0] =	ssyncset.done @!p0 $0x0  }
0x2b: {  	[sflag:s0] =	ssyncadd.s32 @!p0 $0xFFFFCE00  }
0x2c: {  	_ =	swait.ge @!p0 [sflag:s0], $0x3200  }
0x2d: {  	[sflag:s0] =	ssyncset.done @!p0 $0x0  }
0x2e: {  	[sflag:s0] =	ssyncadd.s32 @!p0 $0xFFFFCE00  }
0x2f: {  	_ =	swait.ge @!p0 [sflag:s0], $0x3200  }
0x30: {  	[sflag:s0] =	ssyncset.done @!p0 $0x0  }
0x31: {  	[sflag:s0] =	ssyncadd.s32 @!p0 $0xFFFFCE00  }
0x32: {  	_ =	swait.ge @!p0 [sflag:s0], $0x3200  }
0x33: {  	[sflag:s0] =	ssyncset.done @!p0 $0x0  }
0x34: {  	[sflag:s0] =	ssyncadd.s32 @!p0 $0xFFFFCE00  }
0x35: {  	_ =	swait.ge [sflag:s9], $0x190  }
0x36: {  	[sflag:s9] =	ssyncset.done $0x0  }
0x37: {  	[sflag:s9] =	ssyncadd.s32 $0xFFFFFE70  }
0x38: {  	_ =	swait.ge [sflag:s9], $0x190  }
0x39: {  	[sflag:s9] =	ssyncset.done $0x0  }
0x3a: {  	[sflag:s9] =	ssyncadd.s32 $0xFFFFFE70  }
0x3b: {  	_ =	swait.ge [sflag:s9], $0x190  }
0x3c: {  	[sflag:s9] =	ssyncset.done $0x0  }
0x3d: {  	[sflag:s9] =	ssyncadd.s32 $0xFFFFFE70  }
0x3e: {  	_ =	swait.ge [sflag:s9], $0x190  }
0x3f: {  	[sflag:s9] =	ssyncset.done $0x0  }
0x40: {  	[sflag:s9] =	ssyncadd.s32 $0xFFFFFE70  }
0x41: {  	[tilespmem:s10], [sflag:$0x3] =	stream.indirect.gather [hbm4b:s4+s6], $0x20, s3, s6, $0xb8;
	[tilespmem:$0x19C80] =	vst v63  }
0x42: {  	_ = 	snop  }
0x43: {  	[tilespmem:s11], [sflag:$0x3] =	stream.indirect.gather [hbm4b:s4+s6], $0x20, s6, s6, $0xb8;
	[tilespmem:$0x19C80] =	vst v63  }
0x44: {  	_ = 	snop  }
0x45: {  	[tilespmem:s12], [sflag:$0x3] =	stream.indirect.gather [hbm4b:s4+s6], $0x20, s7, s6, $0xb8;
	[tilespmem:$0x19C80] =	vst v63  }
0x46: {  	_ = 	snop  }
0x47: {  	[tilespmem:s13], [sflag:$0x3] =	stream.indirect.gather [hbm4b:s4+s6], $0x20, s8, s6, $0xb8;
	[tilespmem:$0x19C80] =	vst v63  }
0x48: {  	_ =	swait.ge [sflag:s14], $0x3200  }
0x49: {  	[sflag:s14] =	ssyncset.done $0x0  }
0x4a: {  	[sflag:s14] =	ssyncadd.s32 $0xFFFFCE00  }
0x4b: {  	_ =	swait.ge [sflag:s14], $0x3200  }
0x4c: {  	[sflag:s14] =	ssyncset.done $0x0  }
0x4d: {  	[sflag:s14] =	ssyncadd.s32 $0xFFFFCE00  }
0x4e: {  	_ =	swait.ge [sflag:s14], $0x3200  }
0x4f: {  	[sflag:s14] =	ssyncset.done $0x0  }
0x50: {  	[sflag:s14] =	ssyncadd.s32 $0xFFFFCE00  }
0x51: {  	_ =	swait.ge [sflag:s14], $0x3200  }
0x52: {  	s5 =	rddreg [dreg:$0x12];
	[sflag:s14] =	ssyncset.done $0x0  }
0x53: {  	s31 =	rddreg [dreg:$0x10];
	[sflag:s14] =	ssyncadd.s32 $0xFFFFCE00;
	s0 =	sadd.s32 $0x0, s5  }
0x54: {  	[hbm4b:s0+s3] =	stream.linear.scatter [tilespmem:s10], [sflag:$0x4], $0x3200, $0x38;
	[tilespmem:$0x19C80] =	vst v63  }
0x55: {  	s28 =	rddreg [dreg:$0xe];
	s2 =	sadd.s32 $0x0, s31  }
0x56: {  	[hbm4b:s2+s3] =	stream.linear.scatter [tilespmem:s11], [sflag:$0x4], $0x3200, $0x38;
	[tilespmem:$0x19C80] =	vst v63  }
0x57: {  	s5 =	rddreg [dreg:$0xc];
	s31 =	sadd.s32 $0x0, s28  }
0x58: {  	[hbm4b:s31+s3] =	stream.linear.scatter [tilespmem:s12], [sflag:$0x4], $0x3200, $0x38;
	[tilespmem:$0x19C80] =	vst v63  }
0x59: {  	s28 =	rddreg [dreg:$0x5];
	s2 =	sadd.s32 $0x0, s5  }
0x5a: {  	[hbm4b:s2+s3] =	stream.linear.scatter [tilespmem:s13], [sflag:$0x4], $0x3200, $0x38;
	[tilespmem:$0x19C80] =	vst v63  }
0x5b: {  	s5 =	rddreg [dreg:$0x7];
	s31 =	sadd.s32 s29, s28  }
0x5c: {  	[tilespmem:s15], [sflag:$0x2] =	stream.linear.gather [hbm4b:s31+s3], $0x190, $0x38;
	[tilespmem:$0x19C80] =	vst v63  }
0x5d: {  	s28 =	rddreg [dreg:$0x9];
	s2 =	sadd.s32 s29, s5  }
0x5e: {  	[tilespmem:s16], [sflag:$0x2] =	stream.linear.gather [hbm4b:s2+s3], $0x190, $0x38;
	[tilespmem:$0x19C80] =	vst v63  }
0x5f: {  	s5 =	rddreg [dreg:$0xb];
	s31 =	sadd.s32 s29, s28  }
0x60: {  	[tilespmem:s17], [sflag:$0x2] =	stream.linear.gather [hbm4b:s31+s3], $0x190, $0x38;
	[tilespmem:$0x19C80] =	vst v63  }
0x61: {  	s1 =	simm.s32 @!p0 $0x5;
	s2 =	sadd.s32 s29, s5  }
0x62: {  	[tilespmem:s18], [sflag:$0x2] =	stream.linear.gather [hbm4b:s2+s3], $0x190, $0x38;
	[tilespmem:$0x19C80] =	vst v63  }
0x63: {  	_ =	swait.ge @!p0 [sflag:s1], $0x3200  }
0x64: {  	[sflag:s1] =	ssyncset.done @!p0 $0x0  }
0x65: {  	[sflag:s1] =	ssyncadd.s32 @!p0 $0xFFFFCE00  }
0x66: {  	_ =	swait.ge @!p0 [sflag:s1], $0x3200  }
0x67: {  	[sflag:s1] =	ssyncset.done @!p0 $0x0  }
0x68: {  	[sflag:s1] =	ssyncadd.s32 @!p0 $0xFFFFCE00  }
0x69: {  	_ =	swait.ge @!p0 [sflag:s1], $0x3200  }
0x6a: {  	[sflag:s1] =	ssyncset.done @!p0 $0x0  }
0x6b: {  	[sflag:s1] =	ssyncadd.s32 @!p0 $0xFFFFCE00  }
0x6c: {  	_ =	swait.ge @!p0 [sflag:s1], $0x3200  }
0x6d: {  	[sflag:s1] =	ssyncset.done @!p0 $0x0  }
0x6e: {  	[sflag:s1] =	ssyncadd.s32 @!p0 $0xFFFFCE00  }
0x6f: {  	_ =	swait.ge [sflag:s19], $0x190  }
0x70: {  	[sflag:s19] =	ssyncset.done $0x0  }
0x71: {  	[sflag:s19] =	ssyncadd.s32 $0xFFFFFE70  }
0x72: {  	_ =	swait.ge [sflag:s19], $0x190  }
0x73: {  	[sflag:s19] =	ssyncset.done $0x0  }
0x74: {  	[sflag:s19] =	ssyncadd.s32 $0xFFFFFE70  }
0x75: {  	_ =	swait.ge [sflag:s19], $0x190  }
0x76: {  	[sflag:s19] =	ssyncset.done $0x0  }
0x77: {  	[sflag:s19] =	ssyncadd.s32 $0xFFFFFE70  }
0x78: {  	_ =	swait.ge [sflag:s19], $0x190  }
0x79: {  	[sflag:s19] =	ssyncset.done $0x0  }
0x7a: {  	[sflag:s19] =	ssyncadd.s32 $0xFFFFFE70  }
0x7b: {  	[tilespmem:s20], [sflag:$0x3] =	stream.indirect.gather [hbm4b:s4+s6], $0x20, s15, s6, $0xb8;
	[tilespmem:$0x19C80] =	vst v63  }
0x7c: {  	_ = 	snop  }
0x7d: {  	[tilespmem:s21], [sflag:$0x3] =	stream.indirect.gather [hbm4b:s4+s6], $0x20, s16, s6, $0xb8;
	[tilespmem:$0x19C80] =	vst v63  }
0x7e: {  	_ = 	snop  }
0x7f: {  	[tilespmem:s22], [sflag:$0x3] =	stream.indirect.gather [hbm4b:s4+s6], $0x20, s17, s6, $0xb8;
	[tilespmem:$0x19C80] =	vst v63  }
0x80: {  	_ = 	snop  }
0x81: {  	[tilespmem:s23], [sflag:$0x3] =	stream.indirect.gather [hbm4b:s4+s6], $0x20, s18, s6, $0xb8;
	[tilespmem:$0x19C80] =	vst v63  }
0x82: {  	_ =	swait.ge [sflag:s14], $0x3200  }
0x83: {  	[sflag:s14] =	ssyncset.done $0x0  }
0x84: {  	[sflag:s14] =	ssyncadd.s32 $0xFFFFCE00  }
0x85: {  	_ =	swait.ge [sflag:s14], $0x3200  }
0x86: {  	[sflag:s14] =	ssyncset.done $0x0  }
0x87: {  	[sflag:s14] =	ssyncadd.s32 $0xFFFFCE00  }
0x88: {  	_ =	swait.ge [sflag:s14], $0x3200  }
0x89: {  	[sflag:s14] =	ssyncset.done $0x0  }
0x8a: {  	[sflag:s14] =	ssyncadd.s32 $0xFFFFCE00  }
0x8b: {  	_ =	swait.ge [sflag:s14], $0x3200  }
0x8c: {  	s5 =	rddreg [dreg:$0x4]  }
0x8d: {  	s31 =	rddreg [dreg:$0x6]  }
0x8e: {  	[sflag:s14] =	ssyncset.done $0x0;
	s28 =	rddreg [dreg:$0x8]  }
0x8f: {  	s1 =	rddreg [dreg:$0x13];
	[sflag:s14] =	ssyncadd.s32 $0xFFFFCE00;
	s0 =	sadd.s32 $0x0, s5  }
0x90: {  	[hbm4b:s0+s3] =	stream.linear.scatter [tilespmem:s20], [sflag:$0x5], $0x3200, $0x38;
	[tilespmem:$0x19C80] =	vst v63  }
0x91: {  	s30 =	simm.s32 $0x6400;
	s2 =	sadd.s32 $0x0, s31;
	s5 =	rddreg [dreg:$0xa]  }
0x92: {  	[hbm4b:s2+s3] =	stream.linear.scatter [tilespmem:s21], [sflag:$0x5], $0x3200, $0x38;
	[tilespmem:$0x19C80] =	vst v63  }
0x93: {  	s31 =	sadd.s32 $0x0, s28;
	s28 =	simm.s32 $0x3200;
	s0 =	sadd.s32 $0x0, s5  }
0x94: {  	[hbm4b:s31+s3] =	stream.linear.scatter [tilespmem:s22], [sflag:$0x5], $0x3200, $0x38;
	[tilespmem:$0x19C80] =	vst v63  }
.LBB2_2:
0x95: {  	s29 =	sadd.s32 $0x190, s29  }
0x96: {  	[hbm4b:s0+s3] =	stream.linear.scatter [tilespmem:s23], [sflag:$0x5], $0x3200, $0x38;
	[tilespmem:$0x19C80] =	vst v63  }
0x97: {  	s5 =	rddreg [dreg:$0x11];
	s2 =	sadd.s32 s29, s1  }
0x98: {  	[tilespmem:s3], [sflag:$0x1] =	stream.linear.gather [hbm4b:s2+s3], $0x190, $0x38;
	[tilespmem:$0x19C80] =	vst v63  }
0x99: {  	s1 =	rddreg [dreg:$0xf];
	s2 =	sadd.s32 s29, s5  }
0x9a: {  	[tilespmem:s6], [sflag:$0x1] =	stream.linear.gather [hbm4b:s2+s3], $0x190, $0x38;
	[tilespmem:$0x19C80] =	vst v63  }
0x9b: {  	p1 =	seq.s32 s28, $0x0;
	s5 =	rddreg [dreg:$0xd];
	s2 =	sadd.s32 s29, s1  }
0x9c: {  	[tilespmem:s7], [sflag:$0x1] =	stream.linear.gather [hbm4b:s2+s3], $0x190, $0x38;
	[tilespmem:$0x19C80] =	vst v63  }
0x9d: {  	s0 =	simm.s32 @!p1 $0x4;
	s5 =	sadd.s32 s29, s5  }
0x9e: {  	[tilespmem:s8], [sflag:$0x1] =	stream.linear.gather [hbm4b:s5+s3], $0x190, $0x38;
	[tilespmem:$0x19C80] =	vst v63  }
0x9f: {  	_ =	swait.ge @!p1 [sflag:s0], $0x3200  }
0xa0: {  	[sflag:s0] =	ssyncset.done @!p1 $0x0  }
0xa1: {  	[sflag:s0] =	ssyncadd.s32 @!p1 $0xFFFFCE00  }
0xa2: {  	_ =	swait.ge @!p1 [sflag:s0], $0x3200  }
0xa3: {  	[sflag:s0] =	ssyncset.done @!p1 $0x0  }
0xa4: {  	[sflag:s0] =	ssyncadd.s32 @!p1 $0xFFFFCE00  }
0xa5: {  	_ =	swait.ge @!p1 [sflag:s0], $0x3200  }
0xa6: {  	[sflag:s0] =	ssyncset.done @!p1 $0x0  }
0xa7: {  	[sflag:s0] =	ssyncadd.s32 @!p1 $0xFFFFCE00  }
0xa8: {  	_ =	swait.ge @!p1 [sflag:s0], $0x3200  }
0xa9: {  	[sflag:s0] =	ssyncset.done @!p1 $0x0  }
0xaa: {  	[sflag:s0] =	ssyncadd.s32 @!p1 $0xFFFFCE00  }
0xab: {  	_ =	swait.ge [sflag:s9], $0x190  }
0xac: {  	[sflag:s9] =	ssyncset.done $0x0  }
0xad: {  	[sflag:s9] =	ssyncadd.s32 $0xFFFFFE70  }
0xae: {  	_ =	swait.ge [sflag:s9], $0x190  }
0xaf: {  	[sflag:s9] =	ssyncset.done $0x0  }
0xb0: {  	[sflag:s9] =	ssyncadd.s32 $0xFFFFFE70  }
0xb1: {  	_ =	swait.ge [sflag:s9], $0x190  }
0xb2: {  	[sflag:s9] =	ssyncset.done $0x0  }
0xb3: {  	[sflag:s9] =	ssyncadd.s32 $0xFFFFFE70  }
0xb4: {  	_ =	swait.ge [sflag:s9], $0x190  }
0xb5: {  	[sflag:s9] =	ssyncset.done $0x0  }
0xb6: {  	[sflag:s9] =	ssyncadd.s32 $0xFFFFFE70  }
0xb7: {  	[tilespmem:s10], [sflag:$0x3] =	stream.indirect.gather [hbm4b:s4+s6], $0x20, s3, s6, $0xb8;
	[tilespmem:$0x19C80] =	vst v63  }
0xb8: {  	_ = 	snop  }
0xb9: {  	[tilespmem:s11], [sflag:$0x3] =	stream.indirect.gather [hbm4b:s4+s6], $0x20, s6, s6, $0xb8;
	[tilespmem:$0x19C80] =	vst v63  }
0xba: {  	_ = 	snop  }
0xbb: {  	[tilespmem:s12], [sflag:$0x3] =	stream.indirect.gather [hbm4b:s4+s6], $0x20, s7, s6, $0xb8;
	[tilespmem:$0x19C80] =	vst v63  }
0xbc: {  	_ = 	snop  }
0xbd: {  	[tilespmem:s13], [sflag:$0x3] =	stream.indirect.gather [hbm4b:s4+s6], $0x20, s8, s6, $0xb8;
	[tilespmem:$0x19C80] =	vst v63  }
0xbe: {  	_ =	swait.ge [sflag:s14], $0x3200  }
0xbf: {  	[sflag:s14] =	ssyncset.done $0x0  }
0xc0: {  	[sflag:s14] =	ssyncadd.s32 $0xFFFFCE00  }
0xc1: {  	_ =	swait.ge [sflag:s14], $0x3200  }
0xc2: {  	[sflag:s14] =	ssyncset.done $0x0  }
0xc3: {  	[sflag:s14] =	ssyncadd.s32 $0xFFFFCE00  }
0xc4: {  	_ =	swait.ge [sflag:s14], $0x3200  }
0xc5: {  	[sflag:s14] =	ssyncset.done $0x0  }
0xc6: {  	[sflag:s14] =	ssyncadd.s32 $0xFFFFCE00  }
0xc7: {  	_ =	swait.ge [sflag:s14], $0x3200  }
0xc8: {  	s1 =	rddreg [dreg:$0x12];
	[sflag:s14] =	ssyncset.done $0x0  }
0xc9: {  	s2 =	rddreg [dreg:$0x10];
	[sflag:s14] =	ssyncadd.s32 $0xFFFFCE00;
	s0 =	sadd.s32 s28, s1  }
0xca: {  	[hbm4b:s0+s3] =	stream.linear.scatter [tilespmem:s10], [sflag:$0x4], $0x3200, $0x38;
	[tilespmem:$0x19C80] =	vst v63  }
0xcb: {  	s5 =	rddreg [dreg:$0xe];
	s2 =	sadd.s32 s28, s2  }
0xcc: {  	[hbm4b:s2+s3] =	stream.linear.scatter [tilespmem:s11], [sflag:$0x4], $0x3200, $0x38;
	[tilespmem:$0x19C80] =	vst v63  }
0xcd: {  	s1 =	rddreg [dreg:$0xc];
	s2 =	sadd.s32 s28, s5  }
0xce: {  	[hbm4b:s2+s3] =	stream.linear.scatter [tilespmem:s12], [sflag:$0x4], $0x3200, $0x38;
	[tilespmem:$0x19C80] =	vst v63  }
0xcf: {  	s5 =	rddreg [dreg:$0x5];
	s2 =	sadd.s32 s28, s1  }
0xd0: {  	[hbm4b:s2+s3] =	stream.linear.scatter [tilespmem:s13], [sflag:$0x4], $0x3200, $0x38;
	[tilespmem:$0x19C80] =	vst v63  }
0xd1: {  	s1 =	rddreg [dreg:$0x7];
	s2 =	sadd.s32 s29, s5  }
0xd2: {  	[tilespmem:s15], [sflag:$0x2] =	stream.linear.gather [hbm4b:s2+s3], $0x190, $0x38;
	[tilespmem:$0x19C80] =	vst v63  }
0xd3: {  	s5 =	rddreg [dreg:$0x9];
	s2 =	sadd.s32 s29, s1  }
0xd4: {  	[tilespmem:s16], [sflag:$0x2] =	stream.linear.gather [hbm4b:s2+s3], $0x190, $0x38;
	[tilespmem:$0x19C80] =	vst v63  }
0xd5: {  	s1 =	rddreg [dreg:$0xb];
	s2 =	sadd.s32 s29, s5  }
0xd6: {  	[tilespmem:s17], [sflag:$0x2] =	stream.linear.gather [hbm4b:s2+s3], $0x190, $0x38;
	[tilespmem:$0x19C80] =	vst v63  }
0xd7: {  	s5 =	sadd.s32 s29, s1;
	s1 =	simm.s32 @!p1 $0x5  }
0xd8: {  	[tilespmem:s18], [sflag:$0x2] =	stream.linear.gather [hbm4b:s5+s3], $0x190, $0x38;
	[tilespmem:$0x19C80] =	vst v63  }
0xd9: {  	_ =	swait.ge @!p1 [sflag:s1], $0x3200  }
0xda: {  	[sflag:s1] =	ssyncset.done @!p1 $0x0  }
0xdb: {  	[sflag:s1] =	ssyncadd.s32 @!p1 $0xFFFFCE00  }
0xdc: {  	_ =	swait.ge @!p1 [sflag:s1], $0x3200  }
0xdd: {  	[sflag:s1] =	ssyncset.done @!p1 $0x0  }
0xde: {  	[sflag:s1] =	ssyncadd.s32 @!p1 $0xFFFFCE00  }
0xdf: {  	_ =	swait.ge @!p1 [sflag:s1], $0x3200  }
0xe0: {  	[sflag:s1] =	ssyncset.done @!p1 $0x0  }
0xe1: {  	[sflag:s1] =	ssyncadd.s32 @!p1 $0xFFFFCE00  }
0xe2: {  	_ =	swait.ge @!p1 [sflag:s1], $0x3200  }
0xe3: {  	[sflag:s1] =	ssyncset.done @!p1 $0x0  }
0xe4: {  	[sflag:s1] =	ssyncadd.s32 @!p1 $0xFFFFCE00  }
0xe5: {  	_ =	swait.ge [sflag:s19], $0x190  }
0xe6: {  	[sflag:s19] =	ssyncset.done $0x0  }
0xe7: {  	[sflag:s19] =	ssyncadd.s32 $0xFFFFFE70  }
0xe8: {  	_ =	swait.ge [sflag:s19], $0x190  }
0xe9: {  	[sflag:s19] =	ssyncset.done $0x0  }
0xea: {  	[sflag:s19] =	ssyncadd.s32 $0xFFFFFE70  }
0xeb: {  	_ =	swait.ge [sflag:s19], $0x190  }
0xec: {  	[sflag:s19] =	ssyncset.done $0x0  }
0xed: {  	[sflag:s19] =	ssyncadd.s32 $0xFFFFFE70  }
0xee: {  	_ =	swait.ge [sflag:s19], $0x190  }
0xef: {  	[sflag:s19] =	ssyncset.done $0x0  }
0xf0: {  	[sflag:s19] =	ssyncadd.s32 $0xFFFFFE70  }
0xf1: {  	[tilespmem:s20], [sflag:$0x3] =	stream.indirect.gather [hbm4b:s4+s6], $0x20, s15, s6, $0xb8;
	[tilespmem:$0x19C80] =	vst v63  }
0xf2: {  	_ = 	snop  }
0xf3: {  	[tilespmem:s21], [sflag:$0x3] =	stream.indirect.gather [hbm4b:s4+s6], $0x20, s16, s6, $0xb8;
	[tilespmem:$0x19C80] =	vst v63  }
0xf4: {  	_ = 	snop  }
0xf5: {  	[tilespmem:s22], [sflag:$0x3] =	stream.indirect.gather [hbm4b:s4+s6], $0x20, s17, s6, $0xb8;
	[tilespmem:$0x19C80] =	vst v63  }
0xf6: {  	_ = 	snop  }
0xf7: {  	[tilespmem:s23], [sflag:$0x3] =	stream.indirect.gather [hbm4b:s4+s6], $0x20, s18, s6, $0xb8;
	[tilespmem:$0x19C80] =	vst v63  }
0xf8: {  	_ =	swait.ge [sflag:s14], $0x3200  }
0xf9: {  	[sflag:s14] =	ssyncset.done $0x0  }
0xfa: {  	[sflag:s14] =	ssyncadd.s32 $0xFFFFCE00  }
0xfb: {  	_ =	swait.ge [sflag:s14], $0x3200  }
0xfc: {  	[sflag:s14] =	ssyncset.done $0x0  }
0xfd: {  	[sflag:s14] =	ssyncadd.s32 $0xFFFFCE00  }
0xfe: {  	_ =	swait.ge [sflag:s14], $0x3200  }
0xff: {  	[sflag:s14] =	ssyncset.done $0x0  }
0x100: {  	[sflag:s14] =	ssyncadd.s32 $0xFFFFCE00  }
0x101: {  	s31 =	smov.u32 s30;
	s30 =	sadd.s32 $0x3200, s30;
	_ =	swait.ge [sflag:s14], $0x3200  }
0x102: {  	p0 =	sne.s32 s30, $0x19000;
	s2 =	rddreg [dreg:$0x4];
	[sflag:s14] =	ssyncset.done $0x0  }
0x103: {  	s1 =	rddreg [dreg:$0x6];
	[sflag:s14] =	ssyncadd.s32 $0xFFFFCE00;
	s0 =	sadd.s32 s28, s2  }
0x104: {  	[hbm4b:s0+s3] =	stream.linear.scatter [tilespmem:s20], [sflag:$0x5], $0x3200, $0x38;
	[tilespmem:$0x19C80] =	vst v63  }
.Ltmp0:
0x105: {  	s5 =	rddreg [dreg:$0x8];
	(pc) =	sbr.rel @p0 .LBB2_2-.Ltmp0, $4  }
0x106: {  	s2 =	rddreg [dreg:$0xa];
	s1 =	sadd.s32 s28, s1;
	s5 =	sadd.s32 s28, s5  }
0x107: {  	[hbm4b:s1+s3] =	stream.linear.scatter [tilespmem:s21], [sflag:$0x5], $0x3200, $0x38;
	[tilespmem:$0x19C80] =	vst v63  }
0x108: {  	s0 =	sadd.s32 s28, s2;
	s28 =	smov.u32 s31;
	s1 =	rddreg [dreg:$0x13]  }
0x109: {  	[hbm4b:s5+s3] =	stream.linear.scatter [tilespmem:s22], [sflag:$0x5], $0x3200, $0x38;
	[tilespmem:$0x19C80] =	vst v63  }
0x10a: {  	[hbm4b:s0+s3] =	stream.linear.scatter [tilespmem:s23], [sflag:$0x5], $0x3200, $0x38;
	[tilespmem:$0x19C80] =	vst v63  }
0x10b: {  	s29 =	sadd.s32 $0x190, s29  }
0x10c: {  	s5 =	rddreg [dreg:$0x11];
	s1 =	sadd.s32 s29, s1  }
0x10d: {  	[tilespmem:s3], [sflag:$0x1] =	stream.linear.gather [hbm4b:s1+s3], $0x190, $0x38;
	[tilespmem:$0x19C80] =	vst v63  }
0x10e: {  	s30 =	rddreg [dreg:$0xf];
	s0 =	sadd.s32 s29, s5  }
0x10f: {  	[tilespmem:s6], [sflag:$0x1] =	stream.linear.gather [hbm4b:s0+s3], $0x190, $0x38;
	[tilespmem:$0x19C80] =	vst v63  }
0x110: {  	s31 =	rddreg [dreg:$0xd];
	s1 =	sadd.s32 s29, s30  }
0x111: {  	[tilespmem:s7], [sflag:$0x1] =	stream.linear.gather [hbm4b:s1+s3], $0x190, $0x38;
	[tilespmem:$0x19C80] =	vst v63  }
0x112: {  	p0 =	seq.s32 s28, $0x0;
	s0 =	sadd.s32 s29, s31  }
0x113: {  	[tilespmem:s8], [sflag:$0x1] =	stream.linear.gather [hbm4b:s0+s3], $0x190, $0x38;
	[tilespmem:$0x19C80] =	vst v63  }
0x114: {  	s0 =	simm.s32 @!p0 $0x4  }
0x115: {  	_ =	swait.ge @!p0 [sflag:s0], $0x3200  }
0x116: {  	[sflag:s0] =	ssyncset.done @!p0 $0x0  }
0x117: {  	[sflag:s0] =	ssyncadd.s32 @!p0 $0xFFFFCE00  }
0x118: {  	_ =	swait.ge @!p0 [sflag:s0], $0x3200  }
0x119: {  	[sflag:s0] =	ssyncset.done @!p0 $0x0  }
0x11a: {  	[sflag:s0] =	ssyncadd.s32 @!p0 $0xFFFFCE00  }
0x11b: {  	_ =	swait.ge @!p0 [sflag:s0], $0x3200  }
0x11c: {  	[sflag:s0] =	ssyncset.done @!p0 $0x0  }
0x11d: {  	[sflag:s0] =	ssyncadd.s32 @!p0 $0xFFFFCE00  }
0x11e: {  	_ =	swait.ge @!p0 [sflag:s0], $0x3200  }
0x11f: {  	[sflag:s0] =	ssyncset.done @!p0 $0x0  }
0x120: {  	[sflag:s0] =	ssyncadd.s32 @!p0 $0xFFFFCE00  }
0x121: {  	_ =	swait.ge [sflag:s9], $0x190  }
0x122: {  	[sflag:s9] =	ssyncset.done $0x0  }
0x123: {  	[sflag:s9] =	ssyncadd.s32 $0xFFFFFE70  }
0x124: {  	_ =	swait.ge [sflag:s9], $0x190  }
0x125: {  	[sflag:s9] =	ssyncset.done $0x0  }
0x126: {  	[sflag:s9] =	ssyncadd.s32 $0xFFFFFE70  }
0x127: {  	_ =	swait.ge [sflag:s9], $0x190  }
0x128: {  	[sflag:s9] =	ssyncset.done $0x0  }
0x129: {  	[sflag:s9] =	ssyncadd.s32 $0xFFFFFE70  }
0x12a: {  	_ =	swait.ge [sflag:s9], $0x190  }
0x12b: {  	[sflag:s9] =	ssyncset.done $0x0  }
0x12c: {  	[sflag:s9] =	ssyncadd.s32 $0xFFFFFE70  }
0x12d: {  	[tilespmem:s10], [sflag:$0x3] =	stream.indirect.gather [hbm4b:s4+s6], $0x20, s3, s6, $0xb8;
	[tilespmem:$0x19C80] =	vst v63  }
0x12e: {  	_ = 	snop  }
0x12f: {  	[tilespmem:s11], [sflag:$0x3] =	stream.indirect.gather [hbm4b:s4+s6], $0x20, s6, s6, $0xb8;
	[tilespmem:$0x19C80] =	vst v63  }
0x130: {  	_ = 	snop  }
0x131: {  	[tilespmem:s12], [sflag:$0x3] =	stream.indirect.gather [hbm4b:s4+s6], $0x20, s7, s6, $0xb8;
	[tilespmem:$0x19C80] =	vst v63  }
0x132: {  	_ = 	snop  }
0x133: {  	[tilespmem:s13], [sflag:$0x3] =	stream.indirect.gather [hbm4b:s4+s6], $0x20, s8, s6, $0xb8;
	[tilespmem:$0x19C80] =	vst v63  }
0x134: {  	_ =	swait.ge [sflag:s14], $0x3200  }
0x135: {  	[sflag:s14] =	ssyncset.done $0x0  }
0x136: {  	[sflag:s14] =	ssyncadd.s32 $0xFFFFCE00  }
0x137: {  	_ =	swait.ge [sflag:s14], $0x3200  }
0x138: {  	[sflag:s14] =	ssyncset.done $0x0  }
0x139: {  	[sflag:s14] =	ssyncadd.s32 $0xFFFFCE00  }
0x13a: {  	_ =	swait.ge [sflag:s14], $0x3200  }
0x13b: {  	[sflag:s14] =	ssyncset.done $0x0  }
0x13c: {  	[sflag:s14] =	ssyncadd.s32 $0xFFFFCE00  }
0x13d: {  	_ =	swait.ge [sflag:s14], $0x3200  }
0x13e: {  	s1 =	rddreg [dreg:$0x12];
	[sflag:s14] =	ssyncset.done $0x0  }
0x13f: {  	s2 =	rddreg [dreg:$0x10];
	[sflag:s14] =	ssyncadd.s32 $0xFFFFCE00;
	s0 =	sadd.s32 s28, s1  }
0x140: {  	[hbm4b:s0+s3] =	stream.linear.scatter [tilespmem:s10], [sflag:$0x4], $0x3200, $0x38;
	[tilespmem:$0x19C80] =	vst v63  }
0x141: {  	s5 =	rddreg [dreg:$0xe];
	s1 =	sadd.s32 s28, s2  }
0x142: {  	[hbm4b:s1+s3] =	stream.linear.scatter [tilespmem:s11], [sflag:$0x4], $0x3200, $0x38;
	[tilespmem:$0x19C80] =	vst v63  }
0x143: {  	s30 =	rddreg [dreg:$0xc];
	s0 =	sadd.s32 s28, s5  }
0x144: {  	[hbm4b:s0+s3] =	stream.linear.scatter [tilespmem:s12], [sflag:$0x4], $0x3200, $0x38;
	[tilespmem:$0x19C80] =	vst v63  }
0x145: {  	s31 =	rddreg [dreg:$0x5];
	s1 =	sadd.s32 s28, s30  }
0x146: {  	[hbm4b:s1+s3] =	stream.linear.scatter [tilespmem:s13], [sflag:$0x4], $0x3200, $0x38;
	[tilespmem:$0x19C80] =	vst v63  }
0x147: {  	s2 =	rddreg [dreg:$0x7];
	s0 =	sadd.s32 s29, s31  }
0x148: {  	[tilespmem:s15], [sflag:$0x2] =	stream.linear.gather [hbm4b:s0+s3], $0x190, $0x38;
	[tilespmem:$0x19C80] =	vst v63  }
0x149: {  	s5 =	rddreg [dreg:$0x9];
	s1 =	sadd.s32 s29, s2  }
0x14a: {  	[tilespmem:s16], [sflag:$0x2] =	stream.linear.gather [hbm4b:s1+s3], $0x190, $0x38;
	[tilespmem:$0x19C80] =	vst v63  }
0x14b: {  	s30 =	rddreg [dreg:$0xb];
	s0 =	sadd.s32 s29, s5  }
0x14c: {  	[tilespmem:s17], [sflag:$0x2] =	stream.linear.gather [hbm4b:s0+s3], $0x190, $0x38;
	[tilespmem:$0x19C80] =	vst v63  }
0x14d: {  	s31 =	sadd.s32 s29, s30;
	s1 =	simm.s32 @!p0 $0x5  }
0x14e: {  	[tilespmem:s18], [sflag:$0x2] =	stream.linear.gather [hbm4b:s31+s3], $0x190, $0x38;
	[tilespmem:$0x19C80] =	vst v63  }
0x14f: {  	_ =	swait.ge @!p0 [sflag:s1], $0x3200  }
0x150: {  	[sflag:s1] =	ssyncset.done @!p0 $0x0  }
0x151: {  	[sflag:s1] =	ssyncadd.s32 @!p0 $0xFFFFCE00  }
0x152: {  	_ =	swait.ge @!p0 [sflag:s1], $0x3200  }
0x153: {  	[sflag:s1] =	ssyncset.done @!p0 $0x0  }
0x154: {  	[sflag:s1] =	ssyncadd.s32 @!p0 $0xFFFFCE00  }
0x155: {  	_ =	swait.ge @!p0 [sflag:s1], $0x3200  }
0x156: {  	[sflag:s1] =	ssyncset.done @!p0 $0x0  }
0x157: {  	[sflag:s1] =	ssyncadd.s32 @!p0 $0xFFFFCE00  }
0x158: {  	_ =	swait.ge @!p0 [sflag:s1], $0x3200  }
0x159: {  	[sflag:s1] =	ssyncset.done @!p0 $0x0  }
0x15a: {  	[sflag:s1] =	ssyncadd.s32 @!p0 $0xFFFFCE00  }
0x15b: {  	_ =	swait.ge [sflag:s19], $0x190  }
0x15c: {  	[sflag:s19] =	ssyncset.done $0x0  }
0x15d: {  	[sflag:s19] =	ssyncadd.s32 $0xFFFFFE70  }
0x15e: {  	_ =	swait.ge [sflag:s19], $0x190  }
0x15f: {  	[sflag:s19] =	ssyncset.done $0x0  }
0x160: {  	[sflag:s19] =	ssyncadd.s32 $0xFFFFFE70  }
0x161: {  	_ =	swait.ge [sflag:s19], $0x190  }
0x162: {  	[sflag:s19] =	ssyncset.done $0x0  }
0x163: {  	[sflag:s19] =	ssyncadd.s32 $0xFFFFFE70  }
0x164: {  	_ =	swait.ge [sflag:s19], $0x190  }
0x165: {  	[sflag:s19] =	ssyncset.done $0x0  }
0x166: {  	[sflag:s19] =	ssyncadd.s32 $0xFFFFFE70  }
0x167: {  	[tilespmem:s20], [sflag:$0x3] =	stream.indirect.gather [hbm4b:s4+s6], $0x20, s15, s6, $0xb8;
	[tilespmem:$0x19C80] =	vst v63  }
0x168: {  	_ = 	snop  }
0x169: {  	[tilespmem:s21], [sflag:$0x3] =	stream.indirect.gather [hbm4b:s4+s6], $0x20, s16, s6, $0xb8;
	[tilespmem:$0x19C80] =	vst v63  }
0x16a: {  	_ = 	snop  }
0x16b: {  	[tilespmem:s22], [sflag:$0x3] =	stream.indirect.gather [hbm4b:s4+s6], $0x20, s17, s6, $0xb8;
	[tilespmem:$0x19C80] =	vst v63  }
0x16c: {  	_ = 	snop  }
0x16d: {  	[tilespmem:s23], [sflag:$0x3] =	stream.indirect.gather [hbm4b:s4+s6], $0x20, s18, s6, $0xb8;
	[tilespmem:$0x19C80] =	vst v63  }
0x16e: {  	_ =	swait.ge [sflag:s14], $0x3200  }
0x16f: {  	[sflag:s14] =	ssyncset.done $0x0  }
0x170: {  	[sflag:s14] =	ssyncadd.s32 $0xFFFFCE00  }
0x171: {  	_ =	swait.ge [sflag:s14], $0x3200  }
0x172: {  	[sflag:s14] =	ssyncset.done $0x0  }
0x173: {  	[sflag:s14] =	ssyncadd.s32 $0xFFFFCE00  }
0x174: {  	_ =	swait.ge [sflag:s14], $0x3200  }
0x175: {  	[sflag:s14] =	ssyncset.done $0x0  }
0x176: {  	[sflag:s14] =	ssyncadd.s32 $0xFFFFCE00  }
0x177: {  	_ =	swait.ge [sflag:s14], $0x3200  }
0x178: {  	s1 =	rddreg [dreg:$0x4];
	[sflag:s14] =	ssyncset.done $0x0  }
0x179: {  	s2 =	rddreg [dreg:$0x6];
	[sflag:s14] =	ssyncadd.s32 $0xFFFFCE00;
	s0 =	sadd.s32 s28, s1  }
0x17a: {  	[hbm4b:s0+s3] =	stream.linear.scatter [tilespmem:s20], [sflag:$0x5], $0x3200, $0x38;
	[tilespmem:$0x19C80] =	vst v63  }
0x17b: {  	s5 =	rddreg [dreg:$0x8];
	s1 =	sadd.s32 s28, s2  }
0x17c: {  	[hbm4b:s1+s3] =	stream.linear.scatter [tilespmem:s21], [sflag:$0x5], $0x3200, $0x38;
	[tilespmem:$0x19C80] =	vst v63  }
0x17d: {  	s29 =	rddreg [dreg:$0xa];
	s0 =	sadd.s32 s28, s5  }
0x17e: {  	[hbm4b:s0+s3] =	stream.linear.scatter [tilespmem:s22], [sflag:$0x5], $0x3200, $0x38;
	[tilespmem:$0x19C80] =	vst v63  }
0x17f: {  	s30 =	sadd.s32 s28, s29  }
0x180: {  	[hbm4b:s30+s3] =	stream.linear.scatter [tilespmem:s23], [sflag:$0x5], $0x3200, $0x38;
	[tilespmem:$0x19C80] =	vst v63  }
0x181: {  	_ =	swait.ge [sflag:s24], $0x3200  }
0x182: {  	[sflag:s24] =	ssyncset.done $0x0  }
0x183: {  	[sflag:s24] =	ssyncadd.s32 $0xFFFFCE00  }
0x184: {  	_ =	swait.ge [sflag:s24], $0x3200  }
0x185: {  	[sflag:s24] =	ssyncset.done $0x0  }
0x186: {  	[sflag:s24] =	ssyncadd.s32 $0xFFFFCE00  }
0x187: {  	_ =	swait.ge [sflag:s24], $0x3200  }
0x188: {  	[sflag:s24] =	ssyncset.done $0x0  }
0x189: {  	[sflag:s24] =	ssyncadd.s32 $0xFFFFCE00  }
0x18a: {  	_ =	swait.ge [sflag:s24], $0x3200  }
0x18b: {  	[sflag:s24] =	ssyncset.done $0x0  }
0x18c: {  	[sflag:s24] =	ssyncadd.s32 $0xFFFFCE00  }
0x18d: {  	_ =	swait.ge [sflag:s25], $0x3200  }
0x18e: {  	[sflag:s25] =	ssyncset.done $0x0  }
0x18f: {  	[sflag:s25] =	ssyncadd.s32 $0xFFFFCE00  }
0x190: {  	_ =	swait.ge [sflag:s25], $0x3200  }
0x191: {  	[sflag:s25] =	ssyncset.done $0x0  }
0x192: {  	[sflag:s25] =	ssyncadd.s32 $0xFFFFCE00  }
0x193: {  	_ =	swait.ge [sflag:s25], $0x3200  }
0x194: {  	[sflag:s25] =	ssyncset.done $0x0  }
0x195: {  	[sflag:s25] =	ssyncadd.s32 $0xFFFFCE00  }
0x196: {  	_ =	swait.ge [sflag:s25], $0x3200  }
0x197: {  	s26 =	sadd.s32 $0x1, s26;
	s31 =	rddreg [dreg:$0x14]  }
0x198: {  	p0 =	sne.s32 s26, s31  }
.Ltmp1:
0x199: {  	_ = 	snop;
	(pc) =	sbr.rel @p0 .LBB2_1-.Ltmp1, $3  }
0x19a: {  	_ =	sdelay $0x1  }
0x19b: {  	[sflag:s25] =	ssyncset.done $0x0  }
0x19c: {  	[sflag:s25] =	ssyncadd.s32 $0xFFFFCE00  }
0x19d: {  	_ =	sfence.sel $0x180000  }
0x19e: {  	[bflag:$0x0] =	sbarrier.arrive $0xFFFF  }
0x19f: {  	_ =	strace $0x90000047  }
0x1a0: {  	s0 =	stileid.u32;
	[bflag:$0x2] =	sbarrier.arrive $0xFFFF  }
0x1a1: {  	p0 =	sne.s32 s0, $0x0;
	s0 =	rddreg [dreg:$0x3]  }
0x1a2: {  	s0 =	sadd.s32 @!p0 $0x100000, s0  }
0x1a3: {  	[sflag:s0] =	ssyncadd.tile.s32 @!p0 $0x1;
	_ =	shalt  }
.Lfunc_end2:
_tile_overlayer_lowered:
.L_overlay_start_2:
0x1a4: {  	(tag) =	ssettag $0x2  }
0x1a5: {  	s0 =	rddreg [dreg:$0x0];
	s2 =	stileid.u32  }
0x1a6: {  	s1 =	rddreg [dreg:$0x1];
	p0 =	sne.s32 s2, $0x0  }
0x1a7: {  	s3 =	rddreg [dreg:$0x2];
	[bflag:$0x3] =	sbarrier.arrive $0xFFFF;
	s2 =	simm.s32 @!p0 $0x1C06  }
0x1a8: {  	[timem:s3], [sflag:s2] =	dma.local @!p0 [hbm:s0], s1  }
0x1a9: {  	s0 =	simm.s32 @!p0 $0x6  }
0x1aa: {  	_ =	swait.ge @!p0 [sflag:s0], s1  }
0x1ab: {  	s1 =	ssub.s32 @!p0 $0x0, s1;
	[sflag:s0] =	ssyncset.done @!p0 $0x0  }
0x1ac: {  	[sflag:s0] =	ssyncadd.s32 @!p0 s1  }
0x1ad: {  	[bflag:$0x3] =	sbarrier.arrive $0xFFFF  }
0x1ae: {  	_ =	shalt  }

</sc_bundles>
